<compile_context>
chip_gen: v7x
topology: tpu7x:2x2x1
jax: 0.10.2.dev20260603
libtpu: 0.0.44.dev20260713+nightly
codegen_flags: <defaults>
</compile_context>

<pallas_src>
import jax
import jax.numpy as jnp
from jax import lax
from jax.experimental import pallas as pl
from jax.experimental.pallas import tpu as pltpu
from jax.experimental.pallas import tpu_sc as plsc

NUM_GEOMS = 65536
NEFC = 393216
N_GEOM_TOTAL = 200

NC = 2
NS = 16
NW = NC * NS
L = 16

CPW = NUM_GEOMS // NW
NCHUNK = CPW // L
NROW = NEFC // L
RPT = NROW // NS
BLK = 64


def _body(efc_ref, addr_ref, dim_ref, g1_ref, g2_ref, bid_ref, out_ref,
          addr_v, dim_v, g1_v, g2_v, bid_v, comp_v, idxa_v, idxb_v, rows_v,
          acc_v, efc_sh, sem, sem2):
    sid = lax.axis_index("s")
    wid = sid * NC + lax.axis_index("c")
    base = wid * CPW

    cp_t = pltpu.async_copy(efc_ref.at[pl.ds(sid * RPT, RPT)],
                            efc_sh.at[pl.ds(sid * RPT, RPT)], sem2)

    cp_1 = pltpu.async_copy(g1_ref.at[pl.ds(base, CPW)], g1_v, sem)
    cp_2 = pltpu.async_copy(g2_ref.at[pl.ds(base, CPW)], g2_v, sem)
    cp_b = pltpu.async_copy(bid_ref, bid_v.at[pl.ds(0, N_GEOM_TOTAL)],
                            sem)
    cp_a = pltpu.async_copy(addr_ref.at[pl.ds(base, CPW)], addr_v, sem)
    cp_d = pltpu.async_copy(dim_ref.at[pl.ds(base, CPW)], dim_v, sem)
    cp_1.wait(); cp_2.wait(); cp_b.wait()

    iota = lax.iota(jnp.int32, L)

    def compact(chunk, n):
        c16 = chunk * L
        b1 = plsc.load_gather(bid_v, [g1_v[pl.ds(c16, L)]])
        b2 = plsc.load_gather(bid_v, [g2_v[pl.ds(c16, L)]])
        obj1 = (b1 >= 55) & (b1 <= 59)
        adr1 = (b1 >= 0) & (b1 <= 29)
        obj2 = (b2 >= 55) & (b2 <= 59)
        adr2 = (b2 >= 0) & (b2 <= 29)
        m = (obj1 & adr2) | (obj2 & adr1)
        plsc.store_compressed(comp_v.at[pl.ds(n, L)], c16 + iota, mask=m)
        return n + jnp.max(plsc.all_reduce_population_count(m))

    n = lax.fori_loop(0, NCHUNK, compact, 0, unroll=1)

    zeros_i = jnp.zeros((L,), jnp.int32)
    for k in range(BLK // L):
        comp_v[pl.ds(n + k * L, L)] = zeros_i
    nb = lax.shift_right_logical(n + (BLK - 1), 6)

    cp_a.wait(); cp_d.wait()
    cp_t.wait()
    plsc.subcore_barrier()

    def build_fire(b, _):
        b64 = b * BLK
        for s in range(BLK // L):
            c16 = b64 + s * L
            cidx = comp_v[pl.ds(c16, L)]
            a = plsc.load_gather(addr_v, [cidx])
            q = jnp.clip(lax.shift_right_arithmetic(a, 4), 0, NROW - 1)
            idxa_v[pl.ds(c16, L)] = q
            idxb_v[pl.ds(c16, L)] = jnp.minimum(q + 1, NROW - 1)
        pltpu.async_copy(efc_sh.at[idxa_v.at[pl.ds(b64, BLK)]],
                         rows_v.at[pl.ds(b64, BLK)], sem)
        pltpu.async_copy(efc_sh.at[idxb_v.at[pl.ds(b64, BLK)]],
                         rows_v.at[pl.ds(CPW + b64, BLK)], sem)
        return 0

    lax.fori_loop(0, nb, build_fire, 0)

    def drain(i, _):
        pltpu.make_async_copy(efc_ref.at[pl.ds(0, BLK)],
                              rows_v.at[pl.ds(0, BLK)], sem).wait()
        return 0

    lax.fori_loop(0, 2 * nb, drain, 0)

    def decode(chunk, acc):
        c16 = chunk * L
        cidx = comp_v[pl.ds(c16, L)]
        a = plsc.load_gather(addr_v, [cidx])
        d = plsc.load_gather(dim_v, [cidx])
        cvec = c16 + iota
        off = a & (L - 1)

        def elem(j):
            oj = off + j
            row = cvec + jnp.where(oj >= L, CPW, 0)
            return plsc.load_gather(rows_v, [row, oj & (L - 1)])

        p0 = elem(0)
        t4 = p0 + elem(1) + elem(2) + elem(3)
        t6 = t4 + elem(4) + elem(5)
        sel = jnp.where(d <= 0, p0, jnp.where(d == 1, t4, t6))
        nf = jnp.abs(sel)
        keep = (cvec < n) & (a >= 0)
        return acc + jnp.where(keep, nf, 0.0)

    acc = lax.fori_loop(0, 4 * nb, decode, jnp.zeros((L,), jnp.float32))
    acc_v[...] = acc
    pltpu.sync_copy(acc_v, out_ref.at[pl.ds(wid * L, L)])


@jax.jit
def _run(efc2d, addr, dim, g1, g2, bid):
    mesh = plsc.VectorSubcoreMesh(core_axis_name="c", subcore_axis_name="s",
                                  num_cores=NC, num_subcores=NS)
    f = pl.kernel(
        _body,
        out_type=jax.ShapeDtypeStruct((NW * L,), jnp.float32),
        mesh=mesh,
        compiler_params=pltpu.CompilerParams(needs_layout_passes=False,
                                             use_tc_tiling_on_sc=False,
                                             skip_device_barrier=True,
                                             disable_bounds_checks=True,
                                             disable_semaphore_checks=True),
        scratch_types=[
            pltpu.VMEM((CPW,), jnp.int32),
            pltpu.VMEM((CPW,), jnp.int32),
            pltpu.VMEM((CPW,), jnp.int32),
            pltpu.VMEM((CPW,), jnp.int32),
            pltpu.VMEM((256,), jnp.int32),
            pltpu.VMEM((CPW + BLK,), jnp.int32),
            pltpu.VMEM((CPW,), jnp.int32),
            pltpu.VMEM((CPW,), jnp.int32),
            pltpu.VMEM((2 * CPW, L), jnp.float32),
            pltpu.VMEM((L,), jnp.float32),
            pltpu.VMEM_SHARED((NROW, L), jnp.float32),
            pltpu.SemaphoreType.DMA,
            pltpu.SemaphoreType.DMA,
        ],
    )
    partials = f(efc2d, addr, dim, g1, g2, bid)
    return jnp.sum(partials)


def kernel(efc_force, contact_geom1, contact_geom2, contact_efc_address,
           contact_dim, geom_bodyid):
    efc2d = efc_force.reshape(NROW, L)
    return _run(efc2d, contact_efc_address, contact_dim,
                contact_geom1, contact_geom2, geom_bodyid)

# --- scband reference (transcript-rebuilt; emitter-appended) ---
"""Pipeline reference for scband-branched-computation-module-86921548136510 (READ-ONLY COPY).

The authoritative reference and input builder live on the scoring server;
editing this copy changes nothing except your own understanding.
"""

import jax, jax.numpy as jnp
import numpy as np

NUM_GEOMS = 65536
NEFC = 393216
N_GEOM_TOTAL = 200
N_BODIES = 60
OBJECT_BODY_ID = jnp.array([55, 56, 57, 58, 59])
ADROIT_BODIES = jnp.array(list(range(30)))


def setup_inputs(seed: int = 0) -> dict:
    key = jax.random.key(seed)
    ks = jax.random.split(key, 6)
    return {
        "efc_force": jax.random.normal(ks[0], (NEFC,), dtype=jnp.float32),
        "contact_geom1": jax.random.randint(ks[1], (NUM_GEOMS,), 0, N_GEOM_TOTAL, dtype=jnp.int32),
        "contact_geom2": jax.random.randint(ks[2], (NUM_GEOMS,), 0, N_GEOM_TOTAL, dtype=jnp.int32),
        "contact_efc_address": jax.random.randint(ks[3], (NUM_GEOMS,), 0, NEFC - 6, dtype=jnp.int32),
        "contact_dim": jax.random.randint(ks[4], (NUM_GEOMS,), 0, 3, dtype=jnp.int32),
        "geom_bodyid": jax.random.randint(ks[5], (N_GEOM_TOTAL,), 0, N_BODIES, dtype=jnp.int32),
    }


def _decode_pyramid(condim_idx, pyramid):
    # branches correspond to condim in {1, 3, 4}:
    #   condim==1 -> |pyramid[0]|
    #   condim==3 -> |pyramid[0:4].sum()|
    #   condim==4 -> |pyramid[0:6].sum()|
    return jax.lax.switch(
        condim_idx,
        [
            lambda p: jnp.abs(p[0]),
            lambda p: jnp.abs(p[0:4].sum()),
            lambda p: jnp.abs(p[0:6].sum()),
        ],
        pyramid,
    )


def reference(efc_force, contact_geom1, contact_geom2, contact_efc_address, contact_dim, geom_bodyid):
    def single_contact_normal_force(contact_id):
        efc_address = contact_efc_address[contact_id]
        pyramid = jax.lax.dynamic_slice(efc_force, (efc_address,), (6,))
        normal_force = _decode_pyramid(contact_dim[contact_id], pyramid)
        return normal_force * (efc_address >= 0)

    normal_force = jax.vmap(single_contact_normal_force)(jnp.arange(NUM_GEOMS))

    obj1 = jnp.isin(geom_bodyid[contact_geom1], OBJECT_BODY_ID)
    adr2 = jnp.isin(geom_bodyid[contact_geom2], ADROIT_BODIES)
    obj2 = jnp.isin(geom_bodyid[contact_geom2], OBJECT_BODY_ID)
    adr1 = jnp.isin(geom_bodyid[contact_geom1], ADROIT_BODIES)
    obj_adr_contact = jnp.logical_or(jnp.logical_and(obj1, adr2), jnp.logical_and(obj2, adr1))

    total_force = jnp.sum(normal_force * obj_adr_contact)
    return total_force

if __name__ == "__main__":
    import jax
    _d = setup_inputs()
    print(jax.jit(kernel)(*tuple(_d.values())))

</pallas_src>

<mosaic_0001>
#map = affine_map<(d0, d1) -> (0, 0)>
#map1 = affine_map<(d0, d1) -> (0)>
module attributes {stable_mosaic.version = 14 : i64} {
  func.func @_body(%arg0: i32, %arg1: i32, %arg2: memref<24576x16xf32, #tpu.memory_space<hbm>>, %arg3: memref<65536xi32, #tpu.memory_space<hbm>>, %arg4: memref<65536xi32, #tpu.memory_space<hbm>>, %arg5: memref<65536xi32, #tpu.memory_space<hbm>>, %arg6: memref<65536xi32, #tpu.memory_space<hbm>>, %arg7: memref<200xi32, #tpu.memory_space<hbm>>, %arg8: memref<512xf32, #tpu.memory_space<hbm>>, %arg9: memref<2048xi32, #tpu.memory_space<vmem>>, %arg10: memref<2048xi32, #tpu.memory_space<vmem>>, %arg11: memref<2048xi32, #tpu.memory_space<vmem>>, %arg12: memref<2048xi32, #tpu.memory_space<vmem>>, %arg13: memref<256xi32, #tpu.memory_space<vmem>>, %arg14: memref<2112xi32, #tpu.memory_space<vmem>>, %arg15: memref<2048xi32, #tpu.memory_space<vmem>>, %arg16: memref<2048xi32, #tpu.memory_space<vmem>>, %arg17: memref<4096x16xf32, #tpu.memory_space<vmem>>, %arg18: memref<16xf32, #tpu.memory_space<vmem>>, %arg19: memref<24576x16xf32, #tpu.memory_space<vmem_shared>>, %arg20: memref<!tpu.dma_semaphore, #tpu.memory_space<semaphore_mem>>, %arg21: memref<!tpu.dma_semaphore, #tpu.memory_space<semaphore_mem>>) attributes {dimension_semantics = [#tpu.dimension_semantics<core_parallel>, #tpu.dimension_semantics<subcore_parallel>], iteration_bounds = array<i64: 2, 16>, scalar_prefetch = 0 : i64, scratch_operands = 13 : i64, tpu.core_type = #tpu.core_type<sc_vector_subcore>, window_params = [{transform_indices = #map}, {transform_indices = #map1}, {transform_indices = #map1}, {transform_indices = #map1}, {transform_indices = #map1}, {transform_indices = #map1}, {transform_indices = #map1}]} {
    %mul3A = arith.constant 2 : i32
    %mul3A_0 = arith.muli %arg1, %mul3A : i32
    %add3A = arith.addi %mul3A_0, %arg0 : i32
    %mul3A_1 = arith.constant 2048 : i32
    %mul3A_2 = arith.muli %add3A, %mul3A_1 : i32
    %mul3A_3 = arith.constant 1536 : i32
    %mul3A_4 = arith.muli %arg1, %mul3A_3 : i32
    %mul3A_5 = arith.constant 1536 : i32
    %mul3A_6 = arith.muli %arg1, %mul3A_5 : i32
    %dma_start3A = arith.constant 0 : i32
    %dma_start3A_7 = tpu.memref_slice %arg19[%mul3A_6, %dma_start3A] : memref<24576x16xf32, #tpu.memory_space<vmem_shared>> -> memref<1536x16xf32, #tpu.memory_space<vmem_shared>>
    %dma_start3A_8 = arith.constant 0 : i32
    %dma_start3A_9 = tpu.memref_slice %arg2[%mul3A_4, %dma_start3A_8] : memref<24576x16xf32, #tpu.memory_space<hbm>> -> memref<1536x16xf32, #tpu.memory_space<hbm>>
    tpu.enqueue_dma source(%dma_start3A_9 : memref<1536x16xf32, #tpu.memory_space<hbm>>) target(%dma_start3A_7 : memref<1536x16xf32, #tpu.memory_space<vmem_shared>>) target_semaphore(%arg21 : memref<!tpu.dma_semaphore, #tpu.memory_space<semaphore_mem>>)
    %dma_start3A_10 = tpu.memref_slice %arg5[%mul3A_2] : memref<65536xi32, #tpu.memory_space<hbm>> -> memref<2048xi32, #tpu.memory_space<hbm>>
    %dma_start3A_11 = tpu.memref_slice %arg5[%mul3A_2] : memref<65536xi32, #tpu.memory_space<hbm>> -> memref<2048xi32, #tpu.memory_space<hbm>>
    tpu.enqueue_dma source(%dma_start3A_11 : memref<2048xi32, #tpu.memory_space<hbm>>) target(%arg11 : memref<2048xi32, #tpu.memory_space<vmem>>) target_semaphore(%arg20 : memref<!tpu.dma_semaphore, #tpu.memory_space<semaphore_mem>>)
    %dma_start3A_12 = tpu.memref_slice %arg6[%mul3A_2] : memref<65536xi32, #tpu.memory_space<hbm>> -> memref<2048xi32, #tpu.memory_space<hbm>>
    %dma_start3A_13 = tpu.memref_slice %arg6[%mul3A_2] : memref<65536xi32, #tpu.memory_space<hbm>> -> memref<2048xi32, #tpu.memory_space<hbm>>
    tpu.enqueue_dma source(%dma_start3A_13 : memref<2048xi32, #tpu.memory_space<hbm>>) target(%arg12 : memref<2048xi32, #tpu.memory_space<vmem>>) target_semaphore(%arg20 : memref<!tpu.dma_semaphore, #tpu.memory_space<semaphore_mem>>)
    %dma_start3A_14 = arith.constant 0 : i32
    %dma_start3A_15 = tpu.memref_slice %arg13[%dma_start3A_14] : memref<256xi32, #tpu.memory_space<vmem>> -> memref<200xi32, #tpu.memory_space<vmem>>
    %dma_start3A_16 = arith.constant 0 : i32
    %dma_start3A_17 = tpu.memref_slice %arg13[%dma_start3A_16] : memref<256xi32, #tpu.memory_space<vmem>> -> memref<200xi32, #tpu.memory_space<vmem>>
    tpu.enqueue_dma source(%arg7 : memref<200xi32, #tpu.memory_space<hbm>>) target(%dma_start3A_17 : memref<200xi32, #tpu.memory_space<vmem>>) target_semaphore(%arg20 : memref<!tpu.dma_semaphore, #tpu.memory_space<semaphore_mem>>)
    %dma_start3A_18 = tpu.memref_slice %arg3[%mul3A_2] : memref<65536xi32, #tpu.memory_space<hbm>> -> memref<2048xi32, #tpu.memory_space<hbm>>
    %dma_start3A_19 = tpu.memref_slice %arg3[%mul3A_2] : memref<65536xi32, #tpu.memory_space<hbm>> -> memref<2048xi32, #tpu.memory_space<hbm>>
    tpu.enqueue_dma source(%dma_start3A_19 : memref<2048xi32, #tpu.memory_space<hbm>>) target(%arg9 : memref<2048xi32, #tpu.memory_space<vmem>>) target_semaphore(%arg20 : memref<!tpu.dma_semaphore, #tpu.memory_space<semaphore_mem>>)
    %dma_start3A_20 = tpu.memref_slice %arg4[%mul3A_2] : memref<65536xi32, #tpu.memory_space<hbm>> -> memref<2048xi32, #tpu.memory_space<hbm>>
    %dma_start3A_21 = tpu.memref_slice %arg4[%mul3A_2] : memref<65536xi32, #tpu.memory_space<hbm>> -> memref<2048xi32, #tpu.memory_space<hbm>>
    tpu.enqueue_dma source(%dma_start3A_21 : memref<2048xi32, #tpu.memory_space<hbm>>) target(%arg10 : memref<2048xi32, #tpu.memory_space<vmem>>) target_semaphore(%arg20 : memref<!tpu.dma_semaphore, #tpu.memory_space<semaphore_mem>>)
    %dma_wait3A = tpu.memref_slice %arg5[%mul3A_2] : memref<65536xi32, #tpu.memory_space<hbm>> -> memref<2048xi32, #tpu.memory_space<hbm>>
    %dma_wait3A_22 = tpu.memref_slice %arg5[%mul3A_2] : memref<65536xi32, #tpu.memory_space<hbm>> -> memref<2048xi32, #tpu.memory_space<hbm>>
    tpu.wait_dma2 semaphore(%arg20 : memref<!tpu.dma_semaphore, #tpu.memory_space<semaphore_mem>>) src(%dma_wait3A_22 : memref<2048xi32, #tpu.memory_space<hbm>>) dst(%arg11 : memref<2048xi32, #tpu.memory_space<vmem>>)
    %dma_wait3A_23 = tpu.memref_slice %arg6[%mul3A_2] : memref<65536xi32, #tpu.memory_space<hbm>> -> memref<2048xi32, #tpu.memory_space<hbm>>
    %dma_wait3A_24 = tpu.memref_slice %arg6[%mul3A_2] : memref<65536xi32, #tpu.memory_space<hbm>> -> memref<2048xi32, #tpu.memory_space<hbm>>
    tpu.wait_dma2 semaphore(%arg20 : memref<!tpu.dma_semaphore, #tpu.memory_space<semaphore_mem>>) src(%dma_wait3A_24 : memref<2048xi32, #tpu.memory_space<hbm>>) dst(%arg12 : memref<2048xi32, #tpu.memory_space<vmem>>)
    %dma_wait3A_25 = arith.constant 0 : i32
    %dma_wait3A_26 = tpu.memref_slice %arg13[%dma_wait3A_25] : memref<256xi32, #tpu.memory_space<vmem>> -> memref<200xi32, #tpu.memory_space<vmem>>
    %dma_wait3A_27 = arith.constant 0 : i32
    %dma_wait3A_28 = tpu.memref_slice %arg13[%dma_wait3A_27] : memref<256xi32, #tpu.memory_space<vmem>> -> memref<200xi32, #tpu.memory_space<vmem>>
    tpu.wait_dma2 semaphore(%arg20 : memref<!tpu.dma_semaphore, #tpu.memory_space<semaphore_mem>>) src(%arg7 : memref<200xi32, #tpu.memory_space<hbm>>) dst(%dma_wait3A_28 : memref<200xi32, #tpu.memory_space<vmem>>)
    %iota3A = tpu.iota {dimensions = array<i32: 0>} : vector<16xi32>
    %scan3A = arith.constant 0 : i32
    %scan3A_29 = arith.constant 0 : i32
    %scan3A_30 = arith.constant 128 : i32
    %scan3A_31 = arith.addi %scan3A_29, %scan3A_30 : i32
    %scan3A_32 = arith.constant 1 : i32
    %scan3A_33 = scf.for %scan3A_106 = %scan3A_29 to %scan3A_31 step %scan3A_32 iter_args(%scan3A_107 = %scan3A) -> (i32)  : i32 {
      %mul3A_108 = arith.constant 16 : i32
      %mul3A_109 = arith.muli %scan3A_106, %mul3A_108 : i32
      %get3A = arith.index_cast %mul3A_109 : i32 to index
      %get3A_110 = tpu.vector_load %arg11[%get3A] {strides = array<i32>} : memref<2048xi32, #tpu.memory_space<vmem>>, vector<16xi32>,
      %gather3A = tpu.vector_load_idx %arg13[%get3A_110] : memref<256xi32, #tpu.memory_space<vmem>>[vector<16xi32>], vector<16xi32>,
      %get3A_111 = arith.index_cast %mul3A_109 : i32 to index
      %get3A_112 = tpu.vector_load %arg12[%get3A_111] {strides = array<i32>} : memref<2048xi32, #tpu.memory_space<vmem>>, vector<16xi32>,
      %gather3A_113 = tpu.vector_load_idx %arg13[%get3A_112] : memref<256xi32, #tpu.memory_space<vmem>>[vector<16xi32>], vector<16xi32>,
      %ge3A = arith.constant 55 : i32
      %ge3A_114 = vector.broadcast %ge3A : i32 to vector<16xi32>
      %ge3A_115 = arith.cmpi sge, %gather3A, %ge3A_114 : vector<16xi32>
      %le3A = arith.constant 59 : i32
      %le3A_116 = vector.broadcast %le3A : i32 to vector<16xi32>
      %le3A_117 = arith.cmpi sle, %gather3A, %le3A_116 : vector<16xi32>
      %and3A = arith.andi %ge3A_115, %le3A_117 : vector<16xi1>
      %ge3A_118 = arith.constant 0 : i32
      %ge3A_119 = vector.broadcast %ge3A_118 : i32 to vector<16xi32>
      %ge3A_120 = arith.cmpi sge, %gather3A, %ge3A_119 : vector<16xi32>
      %le3A_121 = arith.constant 29 : i32
      %le3A_122 = vector.broadcast %le3A_121 : i32 to vector<16xi32>
      %le3A_123 = arith.cmpi sle, %gather3A, %le3A_122 : vector<16xi32>
      %and3A_124 = arith.andi %ge3A_120, %le3A_123 : vector<16xi1>
      %ge3A_125 = arith.constant 55 : i32
      %ge3A_126 = vector.broadcast %ge3A_125 : i32 to vector<16xi32>
      %ge3A_127 = arith.cmpi sge, %gather3A_113, %ge3A_126 : vector<16xi32>
      %le3A_128 = arith.constant 59 : i32
      %le3A_129 = vector.broadcast %le3A_128 : i32 to vector<16xi32>
      %le3A_130 = arith.cmpi sle, %gather3A_113, %le3A_129 : vector<16xi32>
      %and3A_131 = arith.andi %ge3A_127, %le3A_130 : vector<16xi1>
      %ge3A_132 = arith.constant 0 : i32
      %ge3A_133 = vector.broadcast %ge3A_132 : i32 to vector<16xi32>
      %ge3A_134 = arith.cmpi sge, %gather3A_113, %ge3A_133 : vector<16xi32>
      %le3A_135 = arith.constant 29 : i32
      %le3A_136 = vector.broadcast %le3A_135 : i32 to vector<16xi32>
      %le3A_137 = arith.cmpi sle, %gather3A_113, %le3A_136 : vector<16xi32>
      %and3A_138 = arith.andi %ge3A_134, %le3A_137 : vector<16xi1>
      %and3A_139 = arith.andi %and3A, %and3A_138 : vector<16xi1>
      %and3A_140 = arith.andi %and3A_131, %and3A_124 : vector<16xi1>
      %or3A = arith.ori %and3A_139, %and3A_140 : vector<16xi1>
      %add3A_141 = vector.broadcast %mul3A_109 : i32 to vector<16xi32>
      %add3A_142 = arith.addi %add3A_141, %iota3A : vector<16xi32>
      %swap3A_143 = arith.index_cast %scan3A_107 : i32 to index
      %swap3A_144 = tpu.vector_load %arg14[%swap3A_143] masked %or3A {strides = array<i32>} : memref<2112xi32, #tpu.memory_space<vmem>>, vector<16xi32>, vector<16xi1>
      tpu.vector_store %arg14[%swap3A_143], %add3A_142 masked %or3A {strides = array<i32>} : memref<2112xi32, #tpu.memory_space<vmem>>, vector<16xi32>, vector<16xi1>
      %all_reduce_population_count3A = tpu.all_reduce %or3A {dim = 0 : i64, kind = #tpu.reduction_kind<sum>} : vector<16xi1> -> vector<16xi32>
      %reduce_max3A = arith.constant true
      %reduce_max3A_145 = vector.broadcast %reduce_max3A : i1 to vector<16xi1>
      %reduce_max3A_146 = arith.constant -2147483648 : i32
      %reduce_max3A_147 = vector.broadcast %reduce_max3A_146 : i32 to vector<16xi32>
      %reduce_max3A_148 = arith.xori %all_reduce_population_count3A, %reduce_max3A_147 : vector<16xi32>
      %reduce_max3A_149 = tpu.scan <max>, %reduce_max3A_148 masked %reduce_max3A_145 : vector<16xi32>, vector<16xi1> -> vector<16xi32>
      %reduce_max3A_150 = arith.xori %reduce_max3A_149, %reduce_max3A_147 : vector<16xi32>
      %reduce_max3A_151 = vector.extract %reduce_max3A_150[15] : i32 from vector<16xi32>
      %add3A_152 = arith.addi %scan3A_107, %reduce_max3A_151 : i32
      scf.yield %add3A_152 : i32
    }
    %scan3A_34 = arith.constant 128 : i32
    %broadcast_in_dim3A = arith.constant 0 : i32
    %broadcast_in_dim3A_35 = vector.broadcast %broadcast_in_dim3A : i32 to vector<16xi32>
    %add3A_36 = arith.constant 0 : i32
    %add3A_37 = arith.addi %scan3A_33, %add3A_36 : i32
    %swap3A = arith.index_cast %add3A_37 : i32 to index
    %swap3A_38 = tpu.vector_load %arg14[%swap3A] {strides = array<i32>} : memref<2112xi32, #tpu.memory_space<vmem>>, vector<16xi32>,
    tpu.vector_store %arg14[%swap3A], %broadcast_in_dim3A_35 {strides = array<i32>} : memref<2112xi32, #tpu.memory_space<vmem>>, vector<16xi32>,
    %add3A_39 = arith.constant 16 : i32
    %add3A_40 = arith.addi %scan3A_33, %add3A_39 : i32
    %swap3A_41 = arith.index_cast %add3A_40 : i32 to index
    %swap3A_42 = tpu.vector_load %arg14[%swap3A_41] {strides = array<i32>} : memref<2112xi32, #tpu.memory_space<vmem>>, vector<16xi32>,
    tpu.vector_store %arg14[%swap3A_41], %broadcast_in_dim3A_35 {strides = array<i32>} : memref<2112xi32, #tpu.memory_space<vmem>>, vector<16xi32>,
    %add3A_43 = arith.constant 32 : i32
    %add3A_44 = arith.addi %scan3A_33, %add3A_43 : i32
    %swap3A_45 = arith.index_cast %add3A_44 : i32 to index
    %swap3A_46 = tpu.vector_load %arg14[%swap3A_45] {strides = array<i32>} : memref<2112xi32, #tpu.memory_space<vmem>>, vector<16xi32>,
    tpu.vector_store %arg14[%swap3A_45], %broadcast_in_dim3A_35 {strides = array<i32>} : memref<2112xi32, #tpu.memory_space<vmem>>, vector<16xi32>,
    %add3A_47 = arith.constant 48 : i32
    %add3A_48 = arith.addi %scan3A_33, %add3A_47 : i32
    %swap3A_49 = arith.index_cast %add3A_48 : i32 to index
    %swap3A_50 = tpu.vector_load %arg14[%swap3A_49] {strides = array<i32>} : memref<2112xi32, #tpu.memory_space<vmem>>, vector<16xi32>,
    tpu.vector_store %arg14[%swap3A_49], %broadcast_in_dim3A_35 {strides = array<i32>} : memref<2112xi32, #tpu.memory_space<vmem>>, vector<16xi32>,
    %add3A_51 = arith.constant 63 : i32
    %add3A_52 = arith.addi %scan3A_33, %add3A_51 : i32
    %shift_right_logical3A = arith.constant 6 : i32
    %shift_right_logical3A_53 = arith.shrui %add3A_52, %shift_right_logical3A : i32
    %dma_wait3A_54 = tpu.memref_slice %arg3[%mul3A_2] : memref<65536xi32, #tpu.memory_space<hbm>> -> memref<2048xi32, #tpu.memory_space<hbm>>
    %dma_wait3A_55 = tpu.memref_slice %arg3[%mul3A_2] : memref<65536xi32, #tpu.memory_space<hbm>> -> memref<2048xi32, #tpu.memory_space<hbm>>
    tpu.wait_dma2 semaphore(%arg20 : memref<!tpu.dma_semaphore, #tpu.memory_space<semaphore_mem>>) src(%dma_wait3A_55 : memref<2048xi32, #tpu.memory_space<hbm>>) dst(%arg9 : memref<2048xi32, #tpu.memory_space<vmem>>)
    %dma_wait3A_56 = tpu.memref_slice %arg4[%mul3A_2] : memref<65536xi32, #tpu.memory_space<hbm>> -> memref<2048xi32, #tpu.memory_space<hbm>>
    %dma_wait3A_57 = tpu.memref_slice %arg4[%mul3A_2] : memref<65536xi32, #tpu.memory_space<hbm>> -> memref<2048xi32, #tpu.memory_space<hbm>>
    tpu.wait_dma2 semaphore(%arg20 : memref<!tpu.dma_semaphore, #tpu.memory_space<semaphore_mem>>) src(%dma_wait3A_57 : memref<2048xi32, #tpu.memory_space<hbm>>) dst(%arg10 : memref<2048xi32, #tpu.memory_space<vmem>>)
    %dma_wait3A_58 = arith.constant 0 : i32
    %dma_wait3A_59 = tpu.memref_slice %arg19[%mul3A_6, %dma_wait3A_58] : memref<24576x16xf32, #tpu.memory_space<vmem_shared>> -> memref<1536x16xf32, #tpu.memory_space<vmem_shared>>
    %dma_wait3A_60 = arith.constant 0 : i32
    %dma_wait3A_61 = tpu.memref_slice %arg2[%mul3A_4, %dma_wait3A_60] : memref<24576x16xf32, #tpu.memory_space<hbm>> -> memref<1536x16xf32, #tpu.memory_space<hbm>>
    tpu.wait_dma2 semaphore(%arg21 : memref<!tpu.dma_semaphore, #tpu.memory_space<semaphore_mem>>) src(%dma_wait3A_61 : memref<1536x16xf32, #tpu.memory_space<hbm>>) dst(%dma_wait3A_59 : memref<1536x16xf32, #tpu.memory_space<vmem_shared>>)
    %barrier3A = arith.constant 0 : index
    tpu.barrier barrier_id(%barrier3A)
    %while3A = arith.constant 0 : i32
    %while3A_62 = arith.constant 0 : i32
    %while3A_63 = arith.subi %shift_right_logical3A_53, %while3A : i32
    %while3A_64 = arith.addi %while3A, %while3A_63 : i32
    %while3A_65 = arith.constant 1 : i32
    %while3A_66 = arith.divsi %while3A_63, %while3A_65 : i32
    %while3A_67 = arith.muli %while3A_66, %while3A_65 : i32
    %while3A_68 = arith.addi %while3A, %while3A_67 : i32
    %while3A_69 = arith.constant 1 : i32
    %while3A_70 = scf.for %while3A_106 = %while3A to %while3A_68 step %while3A_69 iter_args(%while3A_107 = %while3A_62) -> (i32)  : i32 {
      %mul3A_108 = arith.constant 64 : i32
      %mul3A_109 = arith.muli %while3A_106, %mul3A_108 : i32
      %add3A_110 = arith.constant 0 : i32
      %add3A_111 = arith.addi %mul3A_109, %add3A_110 : i32
      %get3A = arith.index_cast %add3A_111 : i32 to index
      %get3A_112 = tpu.vector_load %arg14[%get3A] {strides = array<i32>} : memref<2112xi32, #tpu.memory_space<vmem>>, vector<16xi32>,
      %gather3A = tpu.vector_load_idx %arg9[%get3A_112] : memref<2048xi32, #tpu.memory_space<vmem>>[vector<16xi32>], vector<16xi32>,
      %shift_right_arithmetic3A = arith.constant 4 : i32
      %shift_right_arithmetic3A_113 = vector.broadcast %shift_right_arithmetic3A : i32 to vector<16xi32>
      %shift_right_arithmetic3A_114 = arith.shrsi %gather3A, %shift_right_arithmetic3A_113 : vector<16xi32>
      %jit3A = arith.constant 0 : i32
      %jit3A_115 = arith.constant 24575 : i32
      %max3A = vector.broadcast %jit3A : i32 to vector<16xi32>
      %max3A_116 = arith.maxsi %max3A, %shift_right_arithmetic3A_114 : vector<16xi32>
      %min3A = vector.broadcast %jit3A_115 : i32 to vector<16xi32>
      %min3A_117 = arith.minsi %min3A, %max3A_116 : vector<16xi32>
      %swap3A_118 = arith.index_cast %add3A_111 : i32 to index
      %swap3A_119 = tpu.vector_load %arg15[%swap3A_118] {strides = array<i32>} : memref<2048xi32, #tpu.memory_space<vmem>>, vector<16xi32>,
      tpu.vector_store %arg15[%swap3A_118], %min3A_117 {strides = array<i32>} : memref<2048xi32, #tpu.memory_space<vmem>>, vector<16xi32>,
      %add3A_120 = arith.constant 1 : i32
      %add3A_121 = vector.broadcast %add3A_120 : i32 to vector<16xi32>
      %add3A_122 = arith.addi %min3A_117, %add3A_121 : vector<16xi32>
      %min3A_123 = arith.constant 24575 : i32
      %min3A_124 = vector.broadcast %min3A_123 : i32 to vector<16xi32>
      %min3A_125 = arith.minsi %add3A_122, %min3A_124 : vector<16xi32>
      %swap3A_126 = arith.index_cast %add3A_111 : i32 to index
      %swap3A_127 = tpu.vector_load %arg16[%swap3A_126] {strides = array<i32>} : memref<2048xi32, #tpu.memory_space<vmem>>, vector<16xi32>,
      tpu.vector_store %arg16[%swap3A_126], %min3A_125 {strides = array<i32>} : memref<2048xi32, #tpu.memory_space<vmem>>, vector<16xi32>,
      %add3A_128 = arith.constant 16 : i32
      %add3A_129 = arith.addi %mul3A_109, %add3A_128 : i32
      %get3A_130 = arith.index_cast %add3A_129 : i32 to index
      %get3A_131 = tpu.vector_load %arg14[%get3A_130] {strides = array<i32>} : memref<2112xi32, #tpu.memory_space<vmem>>, vector<16xi32>,
      %gather3A_132 = tpu.vector_load_idx %arg9[%get3A_131] : memref<2048xi32, #tpu.memory_space<vmem>>[vector<16xi32>], vector<16xi32>,
      %shift_right_arithmetic3A_133 = arith.constant 4 : i32
      %shift_right_arithmetic3A_134 = vector.broadcast %shift_right_arithmetic3A_133 : i32 to vector<16xi32>
      %shift_right_arithmetic3A_135 = arith.shrsi %gather3A_132, %shift_right_arithmetic3A_134 : vector<16xi32>
      %jit3A_136 = arith.constant 0 : i32
      %jit3A_137 = arith.constant 24575 : i32
      %max3A_138 = vector.broadcast %jit3A_136 : i32 to vector<16xi32>
      %max3A_139 = arith.maxsi %max3A_138, %shift_right_arithmetic3A_135 : vector<16xi32>
      %min3A_140 = vector.broadcast %jit3A_137 : i32 to vector<16xi32>
      %min3A_141 = arith.minsi %min3A_140, %max3A_139 : vector<16xi32>
      %swap3A_142 = arith.index_cast %add3A_129 : i32 to index
      %swap3A_143 = tpu.vector_load %arg15[%swap3A_142] {strides = array<i32>} : memref<2048xi32, #tpu.memory_space<vmem>>, vector<16xi32>,
      tpu.vector_store %arg15[%swap3A_142], %min3A_141 {strides = array<i32>} : memref<2048xi32, #tpu.memory_space<vmem>>, vector<16xi32>,
      %add3A_144 = arith.constant 1 : i32
      %add3A_145 = vector.broadcast %add3A_144 : i32 to vector<16xi32>
      %add3A_146 = arith.addi %min3A_141, %add3A_145 : vector<16xi32>
      %min3A_147 = arith.constant 24575 : i32
      %min3A_148 = vector.broadcast %min3A_147 : i32 to vector<16xi32>
      %min3A_149 = arith.minsi %add3A_146, %min3A_148 : vector<16xi32>
      %swap3A_150 = arith.index_cast %add3A_129 : i32 to index
      %swap3A_151 = tpu.vector_load %arg16[%swap3A_150] {strides = array<i32>} : memref<2048xi32, #tpu.memory_space<vmem>>, vector<16xi32>,
      tpu.vector_store %arg16[%swap3A_150], %min3A_149 {strides = array<i32>} : memref<2048xi32, #tpu.memory_space<vmem>>, vector<16xi32>,
      %add3A_152 = arith.constant 32 : i32
      %add3A_153 = arith.addi %mul3A_109, %add3A_152 : i32
      %get3A_154 = arith.index_cast %add3A_153 : i32 to index
      %get3A_155 = tpu.vector_load %arg14[%get3A_154] {strides = array<i32>} : memref<2112xi32, #tpu.memory_space<vmem>>, vector<16xi32>,
      %gather3A_156 = tpu.vector_load_idx %arg9[%get3A_155] : memref<2048xi32, #tpu.memory_space<vmem>>[vector<16xi32>], vector<16xi32>,
      %shift_right_arithmetic3A_157 = arith.constant 4 : i32
      %shift_right_arithmetic3A_158 = vector.broadcast %shift_right_arithmetic3A_157 : i32 to vector<16xi32>
      %shift_right_arithmetic3A_159 = arith.shrsi %gather3A_156, %shift_right_arithmetic3A_158 : vector<16xi32>
      %jit3A_160 = arith.constant 0 : i32
      %jit3A_161 = arith.constant 24575 : i32
      %max3A_162 = vector.broadcast %jit3A_160 : i32 to vector<16xi32>
      %max3A_163 = arith.maxsi %max3A_162, %shift_right_arithmetic3A_159 : vector<16xi32>
      %min3A_164 = vector.broadcast %jit3A_161 : i32 to vector<16xi32>
      %min3A_165 = arith.minsi %min3A_164, %max3A_163 : vector<16xi32>
      %swap3A_166 = arith.index_cast %add3A_153 : i32 to index
      %swap3A_167 = tpu.vector_load %arg15[%swap3A_166] {strides = array<i32>} : memref<2048xi32, #tpu.memory_space<vmem>>, vector<16xi32>,
      tpu.vector_store %arg15[%swap3A_166], %min3A_165 {strides = array<i32>} : memref<2048xi32, #tpu.memory_space<vmem>>, vector<16xi32>,
      %add3A_168 = arith.constant 1 : i32
      %add3A_169 = vector.broadcast %add3A_168 : i32 to vector<16xi32>
      %add3A_170 = arith.addi %min3A_165, %add3A_169 : vector<16xi32>
      %min3A_171 = arith.constant 24575 : i32
      %min3A_172 = vector.broadcast %min3A_171 : i32 to vector<16xi32>
      %min3A_173 = arith.minsi %add3A_170, %min3A_172 : vector<16xi32>
      %swap3A_174 = arith.index_cast %add3A_153 : i32 to index
      %swap3A_175 = tpu.vector_load %arg16[%swap3A_174] {strides = array<i32>} : memref<2048xi32, #tpu.memory_space<vmem>>, vector<16xi32>,
      tpu.vector_store %arg16[%swap3A_174], %min3A_173 {strides = array<i32>} : memref<2048xi32, #tpu.memory_space<vmem>>, vector<16xi32>,
      %add3A_176 = arith.constant 48 : i32
      %add3A_177 = arith.addi %mul3A_109, %add3A_176 : i32
      %get3A_178 = arith.index_cast %add3A_177 : i32 to index
      %get3A_179 = tpu.vector_load %arg14[%get3A_178] {strides = array<i32>} : memref<2112xi32, #tpu.memory_space<vmem>>, vector<16xi32>,
      %gather3A_180 = tpu.vector_load_idx %arg9[%get3A_179] : memref<2048xi32, #tpu.memory_space<vmem>>[vector<16xi32>], vector<16xi32>,
      %shift_right_arithmetic3A_181 = arith.constant 4 : i32
      %shift_right_arithmetic3A_182 = vector.broadcast %shift_right_arithmetic3A_181 : i32 to vector<16xi32>
      %shift_right_arithmetic3A_183 = arith.shrsi %gather3A_180, %shift_right_arithmetic3A_182 : vector<16xi32>
      %jit3A_184 = arith.constant 0 : i32
      %jit3A_185 = arith.constant 24575 : i32
      %max3A_186 = vector.broadcast %jit3A_184 : i32 to vector<16xi32>
      %max3A_187 = arith.maxsi %max3A_186, %shift_right_arithmetic3A_183 : vector<16xi32>
      %min3A_188 = vector.broadcast %jit3A_185 : i32 to vector<16xi32>
      %min3A_189 = arith.minsi %min3A_188, %max3A_187 : vector<16xi32>
      %swap3A_190 = arith.index_cast %add3A_177 : i32 to index
      %swap3A_191 = tpu.vector_load %arg15[%swap3A_190] {strides = array<i32>} : memref<2048xi32, #tpu.memory_space<vmem>>, vector<16xi32>,
      tpu.vector_store %arg15[%swap3A_190], %min3A_189 {strides = array<i32>} : memref<2048xi32, #tpu.memory_space<vmem>>, vector<16xi32>,
      %add3A_192 = arith.constant 1 : i32
      %add3A_193 = vector.broadcast %add3A_192 : i32 to vector<16xi32>
      %add3A_194 = arith.addi %min3A_189, %add3A_193 : vector<16xi32>
      %min3A_195 = arith.constant 24575 : i32
      %min3A_196 = vector.broadcast %min3A_195 : i32 to vector<16xi32>
      %min3A_197 = arith.minsi %add3A_194, %min3A_196 : vector<16xi32>
      %swap3A_198 = arith.index_cast %add3A_177 : i32 to index
      %swap3A_199 = tpu.vector_load %arg16[%swap3A_198] {strides = array<i32>} : memref<2048xi32, #tpu.memory_space<vmem>>, vector<16xi32>,
      tpu.vector_store %arg16[%swap3A_198], %min3A_197 {strides = array<i32>} : memref<2048xi32, #tpu.memory_space<vmem>>, vector<16xi32>,
      %dma_start3A_200 = arith.constant 0 : i32
      %dma_start3A_201 = tpu.memref_slice %arg17[%mul3A_109, %dma_start3A_200] : memref<4096x16xf32, #tpu.memory_space<vmem>> -> memref<64x16xf32, #tpu.memory_space<vmem>>
      %dma_start3A_202 = tpu.memref_slice %arg15[%mul3A_109] : memref<2048xi32, #tpu.memory_space<vmem>> -> memref<64xi32, #tpu.memory_space<vmem>>
      %dma_start3A_203 = arith.constant 0 : i32
      %dma_start3A_204 = arith.constant 0 : i32
      %dma_start3A_205 = tpu.memref_slice %arg19[%dma_start3A_203, %dma_start3A_204] : memref<24576x16xf32, #tpu.memory_space<vmem_shared>> -> memref<24576x16xf32, #tpu.memory_space<vmem_shared>>
      tpu.enqueue_indirect_dma source(%dma_start3A_205 : memref<24576x16xf32, #tpu.memory_space<vmem_shared>>) target(%dma_start3A_201 : memref<64x16xf32, #tpu.memory_space<vmem>>) offsets(%dma_start3A_202 : memref<64xi32, #tpu.memory_space<vmem>>) semaphore(%arg20 : memref<!tpu.dma_semaphore, #tpu.memory_space<semaphore_mem>>)
      %add3A_206 = arith.constant 2048 : i32
      %add3A_207 = arith.addi %add3A_206, %mul3A_109 : i32
      %dma_start3A_208 = arith.constant 0 : i32
      %dma_start3A_209 = tpu.memref_slice %arg17[%add3A_207, %dma_start3A_208] : memref<4096x16xf32, #tpu.memory_space<vmem>> -> memref<64x16xf32, #tpu.memory_space<vmem>>
      %dma_start3A_210 = tpu.memref_slice %arg16[%mul3A_109] : memref<2048xi32, #tpu.memory_space<vmem>> -> memref<64xi32, #tpu.memory_space<vmem>>
      %dma_start3A_211 = arith.constant 0 : i32
      %dma_start3A_212 = arith.constant 0 : i32
      %dma_start3A_213 = tpu.memref_slice %arg19[%dma_start3A_211, %dma_start3A_212] : memref<24576x16xf32, #tpu.memory_space<vmem_shared>> -> memref<24576x16xf32, #tpu.memory_space<vmem_shared>>
      tpu.enqueue_indirect_dma source(%dma_start3A_213 : memref<24576x16xf32, #tpu.memory_space<vmem_shared>>) target(%dma_start3A_209 : memref<64x16xf32, #tpu.memory_space<vmem>>) offsets(%dma_start3A_210 : memref<64xi32, #tpu.memory_space<vmem>>) semaphore(%arg20 : memref<!tpu.dma_semaphore, #tpu.memory_space<semaphore_mem>>)
      %while3A_214 = arith.constant 0 : i32
      scf.yield %while3A_214 : i32
    }
    %while3A_71 = arith.constant 1 : i32
    %while3A_72 = scf.for %while3A_106 = %while3A_68 to %while3A_64 step %while3A_71 iter_args(%while3A_107 = %while3A_70) -> (i32)  : i32 {
      %mul3A_108 = arith.constant 64 : i32
      %mul3A_109 = arith.muli %while3A_106, %mul3A_108 : i32
      %add3A_110 = arith.constant 0 : i32
      %add3A_111 = arith.addi %mul3A_109, %add3A_110 : i32
      %get3A = arith.index_cast %add3A_111 : i32 to index
      %get3A_112 = tpu.vector_load %arg14[%get3A] {strides = array<i32>} : memref<2112xi32, #tpu.memory_space<vmem>>, vector<16xi32>,
      %gather3A = tpu.vector_load_idx %arg9[%get3A_112] : memref<2048xi32, #tpu.memory_space<vmem>>[vector<16xi32>], vector<16xi32>,
      %shift_right_arithmetic3A = arith.constant 4 : i32
      %shift_right_arithmetic3A_113 = vector.broadcast %shift_right_arithmetic3A : i32 to vector<16xi32>
      %shift_right_arithmetic3A_114 = arith.shrsi %gather3A, %shift_right_arithmetic3A_113 : vector<16xi32>
      %jit3A = arith.constant 0 : i32
      %jit3A_115 = arith.constant 24575 : i32
      %max3A = vector.broadcast %jit3A : i32 to vector<16xi32>
      %max3A_116 = arith.maxsi %max3A, %shift_right_arithmetic3A_114 : vector<16xi32>
      %min3A = vector.broadcast %jit3A_115 : i32 to vector<16xi32>
      %min3A_117 = arith.minsi %min3A, %max3A_116 : vector<16xi32>
      %swap3A_118 = arith.index_cast %add3A_111 : i32 to index
      %swap3A_119 = tpu.vector_load %arg15[%swap3A_118] {strides = array<i32>} : memref<2048xi32, #tpu.memory_space<vmem>>, vector<16xi32>,
      tpu.vector_store %arg15[%swap3A_118], %min3A_117 {strides = array<i32>} : memref<2048xi32, #tpu.memory_space<vmem>>, vector<16xi32>,
      %add3A_120 = arith.constant 1 : i32
      %add3A_121 = vector.broadcast %add3A_120 : i32 to vector<16xi32>
      %add3A_122 = arith.addi %min3A_117, %add3A_121 : vector<16xi32>
      %min3A_123 = arith.constant 24575 : i32
      %min3A_124 = vector.broadcast %min3A_123 : i32 to vector<16xi32>
      %min3A_125 = arith.minsi %add3A_122, %min3A_124 : vector<16xi32>
      %swap3A_126 = arith.index_cast %add3A_111 : i32 to index
      %swap3A_127 = tpu.vector_load %arg16[%swap3A_126] {strides = array<i32>} : memref<2048xi32, #tpu.memory_space<vmem>>, vector<16xi32>,
      tpu.vector_store %arg16[%swap3A_126], %min3A_125 {strides = array<i32>} : memref<2048xi32, #tpu.memory_space<vmem>>, vector<16xi32>,
      %add3A_128 = arith.constant 16 : i32
      %add3A_129 = arith.addi %mul3A_109, %add3A_128 : i32
      %get3A_130 = arith.index_cast %add3A_129 : i32 to index
      %get3A_131 = tpu.vector_load %arg14[%get3A_130] {strides = array<i32>} : memref<2112xi32, #tpu.memory_space<vmem>>, vector<16xi32>,
      %gather3A_132 = tpu.vector_load_idx %arg9[%get3A_131] : memref<2048xi32, #tpu.memory_space<vmem>>[vector<16xi32>], vector<16xi32>,
      %shift_right_arithmetic3A_133 = arith.constant 4 : i32
      %shift_right_arithmetic3A_134 = vector.broadcast %shift_right_arithmetic3A_133 : i32 to vector<16xi32>
      %shift_right_arithmetic3A_135 = arith.shrsi %gather3A_132, %shift_right_arithmetic3A_134 : vector<16xi32>
      %jit3A_136 = arith.constant 0 : i32
      %jit3A_137 = arith.constant 24575 : i32
      %max3A_138 = vector.broadcast %jit3A_136 : i32 to vector<16xi32>
      %max3A_139 = arith.maxsi %max3A_138, %shift_right_arithmetic3A_135 : vector<16xi32>
      %min3A_140 = vector.broadcast %jit3A_137 : i32 to vector<16xi32>
      %min3A_141 = arith.minsi %min3A_140, %max3A_139 : vector<16xi32>
      %swap3A_142 = arith.index_cast %add3A_129 : i32 to index
      %swap3A_143 = tpu.vector_load %arg15[%swap3A_142] {strides = array<i32>} : memref<2048xi32, #tpu.memory_space<vmem>>, vector<16xi32>,
      tpu.vector_store %arg15[%swap3A_142], %min3A_141 {strides = array<i32>} : memref<2048xi32, #tpu.memory_space<vmem>>, vector<16xi32>,
      %add3A_144 = arith.constant 1 : i32
      %add3A_145 = vector.broadcast %add3A_144 : i32 to vector<16xi32>
      %add3A_146 = arith.addi %min3A_141, %add3A_145 : vector<16xi32>
      %min3A_147 = arith.constant 24575 : i32
      %min3A_148 = vector.broadcast %min3A_147 : i32 to vector<16xi32>
      %min3A_149 = arith.minsi %add3A_146, %min3A_148 : vector<16xi32>
      %swap3A_150 = arith.index_cast %add3A_129 : i32 to index
      %swap3A_151 = tpu.vector_load %arg16[%swap3A_150] {strides = array<i32>} : memref<2048xi32, #tpu.memory_space<vmem>>, vector<16xi32>,
      tpu.vector_store %arg16[%swap3A_150], %min3A_149 {strides = array<i32>} : memref<2048xi32, #tpu.memory_space<vmem>>, vector<16xi32>,
      %add3A_152 = arith.constant 32 : i32
      %add3A_153 = arith.addi %mul3A_109, %add3A_152 : i32
      %get3A_154 = arith.index_cast %add3A_153 : i32 to index
      %get3A_155 = tpu.vector_load %arg14[%get3A_154] {strides = array<i32>} : memref<2112xi32, #tpu.memory_space<vmem>>, vector<16xi32>,
      %gather3A_156 = tpu.vector_load_idx %arg9[%get3A_155] : memref<2048xi32, #tpu.memory_space<vmem>>[vector<16xi32>], vector<16xi32>,
      %shift_right_arithmetic3A_157 = arith.constant 4 : i32
      %shift_right_arithmetic3A_158 = vector.broadcast %shift_right_arithmetic3A_157 : i32 to vector<16xi32>
      %shift_right_arithmetic3A_159 = arith.shrsi %gather3A_156, %shift_right_arithmetic3A_158 : vector<16xi32>
      %jit3A_160 = arith.constant 0 : i32
      %jit3A_161 = arith.constant 24575 : i32
      %max3A_162 = vector.broadcast %jit3A_160 : i32 to vector<16xi32>
      %max3A_163 = arith.maxsi %max3A_162, %shift_right_arithmetic3A_159 : vector<16xi32>
      %min3A_164 = vector.broadcast %jit3A_161 : i32 to vector<16xi32>
      %min3A_165 = arith.minsi %min3A_164, %max3A_163 : vector<16xi32>
      %swap3A_166 = arith.index_cast %add3A_153 : i32 to index
      %swap3A_167 = tpu.vector_load %arg15[%swap3A_166] {strides = array<i32>} : memref<2048xi32, #tpu.memory_space<vmem>>, vector<16xi32>,
      tpu.vector_store %arg15[%swap3A_166], %min3A_165 {strides = array<i32>} : memref<2048xi32, #tpu.memory_space<vmem>>, vector<16xi32>,
      %add3A_168 = arith.constant 1 : i32
      %add3A_169 = vector.broadcast %add3A_168 : i32 to vector<16xi32>
      %add3A_170 = arith.addi %min3A_165, %add3A_169 : vector<16xi32>
      %min3A_171 = arith.constant 24575 : i32
      %min3A_172 = vector.broadcast %min3A_171 : i32 to vector<16xi32>
      %min3A_173 = arith.minsi %add3A_170, %min3A_172 : vector<16xi32>
      %swap3A_174 = arith.index_cast %add3A_153 : i32 to index
      %swap3A_175 = tpu.vector_load %arg16[%swap3A_174] {strides = array<i32>} : memref<2048xi32, #tpu.memory_space<vmem>>, vector<16xi32>,
      tpu.vector_store %arg16[%swap3A_174], %min3A_173 {strides = array<i32>} : memref<2048xi32, #tpu.memory_space<vmem>>, vector<16xi32>,
      %add3A_176 = arith.constant 48 : i32
      %add3A_177 = arith.addi %mul3A_109, %add3A_176 : i32
      %get3A_178 = arith.index_cast %add3A_177 : i32 to index
      %get3A_179 = tpu.vector_load %arg14[%get3A_178] {strides = array<i32>} : memref<2112xi32, #tpu.memory_space<vmem>>, vector<16xi32>,
      %gather3A_180 = tpu.vector_load_idx %arg9[%get3A_179] : memref<2048xi32, #tpu.memory_space<vmem>>[vector<16xi32>], vector<16xi32>,
      %shift_right_arithmetic3A_181 = arith.constant 4 : i32
      %shift_right_arithmetic3A_182 = vector.broadcast %shift_right_arithmetic3A_181 : i32 to vector<16xi32>
      %shift_right_arithmetic3A_183 = arith.shrsi %gather3A_180, %shift_right_arithmetic3A_182 : vector<16xi32>
      %jit3A_184 = arith.constant 0 : i32
      %jit3A_185 = arith.constant 24575 : i32
      %max3A_186 = vector.broadcast %jit3A_184 : i32 to vector<16xi32>
      %max3A_187 = arith.maxsi %max3A_186, %shift_right_arithmetic3A_183 : vector<16xi32>
      %min3A_188 = vector.broadcast %jit3A_185 : i32 to vector<16xi32>
      %min3A_189 = arith.minsi %min3A_188, %max3A_187 : vector<16xi32>
      %swap3A_190 = arith.index_cast %add3A_177 : i32 to index
      %swap3A_191 = tpu.vector_load %arg15[%swap3A_190] {strides = array<i32>} : memref<2048xi32, #tpu.memory_space<vmem>>, vector<16xi32>,
      tpu.vector_store %arg15[%swap3A_190], %min3A_189 {strides = array<i32>} : memref<2048xi32, #tpu.memory_space<vmem>>, vector<16xi32>,
      %add3A_192 = arith.constant 1 : i32
      %add3A_193 = vector.broadcast %add3A_192 : i32 to vector<16xi32>
      %add3A_194 = arith.addi %min3A_189, %add3A_193 : vector<16xi32>
      %min3A_195 = arith.constant 24575 : i32
      %min3A_196 = vector.broadcast %min3A_195 : i32 to vector<16xi32>
      %min3A_197 = arith.minsi %add3A_194, %min3A_196 : vector<16xi32>
      %swap3A_198 = arith.index_cast %add3A_177 : i32 to index
      %swap3A_199 = tpu.vector_load %arg16[%swap3A_198] {strides = array<i32>} : memref<2048xi32, #tpu.memory_space<vmem>>, vector<16xi32>,
      tpu.vector_store %arg16[%swap3A_198], %min3A_197 {strides = array<i32>} : memref<2048xi32, #tpu.memory_space<vmem>>, vector<16xi32>,
      %dma_start3A_200 = arith.constant 0 : i32
      %dma_start3A_201 = tpu.memref_slice %arg17[%mul3A_109, %dma_start3A_200] : memref<4096x16xf32, #tpu.memory_space<vmem>> -> memref<64x16xf32, #tpu.memory_space<vmem>>
      %dma_start3A_202 = tpu.memref_slice %arg15[%mul3A_109] : memref<2048xi32, #tpu.memory_space<vmem>> -> memref<64xi32, #tpu.memory_space<vmem>>
      %dma_start3A_203 = arith.constant 0 : i32
      %dma_start3A_204 = arith.constant 0 : i32
      %dma_start3A_205 = tpu.memref_slice %arg19[%dma_start3A_203, %dma_start3A_204] : memref<24576x16xf32, #tpu.memory_space<vmem_shared>> -> memref<24576x16xf32, #tpu.memory_space<vmem_shared>>
      tpu.enqueue_indirect_dma source(%dma_start3A_205 : memref<24576x16xf32, #tpu.memory_space<vmem_shared>>) target(%dma_start3A_201 : memref<64x16xf32, #tpu.memory_space<vmem>>) offsets(%dma_start3A_202 : memref<64xi32, #tpu.memory_space<vmem>>) semaphore(%arg20 : memref<!tpu.dma_semaphore, #tpu.memory_space<semaphore_mem>>)
      %add3A_206 = arith.constant 2048 : i32
      %add3A_207 = arith.addi %add3A_206, %mul3A_109 : i32
      %dma_start3A_208 = arith.constant 0 : i32
      %dma_start3A_209 = tpu.memref_slice %arg17[%add3A_207, %dma_start3A_208] : memref<4096x16xf32, #tpu.memory_space<vmem>> -> memref<64x16xf32, #tpu.memory_space<vmem>>
      %dma_start3A_210 = tpu.memref_slice %arg16[%mul3A_109] : memref<2048xi32, #tpu.memory_space<vmem>> -> memref<64xi32, #tpu.memory_space<vmem>>
      %dma_start3A_211 = arith.constant 0 : i32
      %dma_start3A_212 = arith.constant 0 : i32
      %dma_start3A_213 = tpu.memref_slice %arg19[%dma_start3A_211, %dma_start3A_212] : memref<24576x16xf32, #tpu.memory_space<vmem_shared>> -> memref<24576x16xf32, #tpu.memory_space<vmem_shared>>
      tpu.enqueue_indirect_dma source(%dma_start3A_213 : memref<24576x16xf32, #tpu.memory_space<vmem_shared>>) target(%dma_start3A_209 : memref<64x16xf32, #tpu.memory_space<vmem>>) offsets(%dma_start3A_210 : memref<64xi32, #tpu.memory_space<vmem>>) semaphore(%arg20 : memref<!tpu.dma_semaphore, #tpu.memory_space<semaphore_mem>>)
      %while3A_214 = arith.constant 0 : i32
      scf.yield %while3A_214 : i32
    }
    %mul3A_73 = arith.constant 2 : i32
    %mul3A_74 = arith.muli %mul3A_73, %shift_right_logical3A_53 : i32
    %while3A_75 = arith.constant 0 : i32
    %while3A_76 = arith.constant 0 : i32
    %while3A_77 = arith.subi %mul3A_74, %while3A_75 : i32
    %while3A_78 = arith.addi %while3A_75, %while3A_77 : i32
    %while3A_79 = arith.constant 1 : i32
    %while3A_80 = arith.divsi %while3A_77, %while3A_79 : i32
    %while3A_81 = arith.muli %while3A_80, %while3A_79 : i32
    %while3A_82 = arith.addi %while3A_75, %while3A_81 : i32
    %while3A_83 = arith.constant 1 : i32
    %while3A_84 = scf.for %while3A_106 = %while3A_75 to %while3A_82 step %while3A_83 iter_args(%while3A_107 = %while3A_76) -> (i32)  : i32 {
      %dma_wait3A_108 = arith.constant 0 : i32
      %dma_wait3A_109 = arith.constant 0 : i32
      %dma_wait3A_110 = tpu.memref_slice %arg17[%dma_wait3A_108, %dma_wait3A_109] : memref<4096x16xf32, #tpu.memory_space<vmem>> -> memref<64x16xf32, #tpu.memory_space<vmem>>
      %dma_wait3A_111 = arith.constant 0 : i32
      %dma_wait3A_112 = arith.constant 0 : i32
      %dma_wait3A_113 = tpu.memref_slice %arg2[%dma_wait3A_111, %dma_wait3A_112] : memref<24576x16xf32, #tpu.memory_space<hbm>> -> memref<64x16xf32, #tpu.memory_space<hbm>>
      %dma_wait3A_114 = arith.constant 0 : i32
      %dma_wait3A_115 = arith.constant 0 : i32
      %dma_wait3A_116 = tpu.memref_slice %arg17[%dma_wait3A_114, %dma_wait3A_115] : memref<4096x16xf32, #tpu.memory_space<vmem>> -> memref<64x16xf32, #tpu.memory_space<vmem>>
      %dma_wait3A_117 = arith.constant 0 : i32
      %dma_wait3A_118 = arith.constant 0 : i32
      %dma_wait3A_119 = tpu.memref_slice %arg2[%dma_wait3A_117, %dma_wait3A_118] : memref<24576x16xf32, #tpu.memory_space<hbm>> -> memref<64x16xf32, #tpu.memory_space<hbm>>
      tpu.wait_dma2 semaphore(%arg20 : memref<!tpu.dma_semaphore, #tpu.memory_space<semaphore_mem>>) src(%dma_wait3A_119 : memref<64x16xf32, #tpu.memory_space<hbm>>) dst(%dma_wait3A_116 : memref<64x16xf32, #tpu.memory_space<vmem>>)
      %while3A_120 = arith.constant 0 : i32
      scf.yield %while3A_120 : i32
    }
    %while3A_85 = arith.constant 1 : i32
    %while3A_86 = scf.for %while3A_106 = %while3A_82 to %while3A_78 step %while3A_85 iter_args(%while3A_107 = %while3A_84) -> (i32)  : i32 {
      %dma_wait3A_108 = arith.constant 0 : i32
      %dma_wait3A_109 = arith.constant 0 : i32
      %dma_wait3A_110 = tpu.memref_slice %arg17[%dma_wait3A_108, %dma_wait3A_109] : memref<4096x16xf32, #tpu.memory_space<vmem>> -> memref<64x16xf32, #tpu.memory_space<vmem>>
      %dma_wait3A_111 = arith.constant 0 : i32
      %dma_wait3A_112 = arith.constant 0 : i32
      %dma_wait3A_113 = tpu.memref_slice %arg2[%dma_wait3A_111, %dma_wait3A_112] : memref<24576x16xf32, #tpu.memory_space<hbm>> -> memref<64x16xf32, #tpu.memory_space<hbm>>
      %dma_wait3A_114 = arith.constant 0 : i32
      %dma_wait3A_115 = arith.constant 0 : i32
      %dma_wait3A_116 = tpu.memref_slice %arg17[%dma_wait3A_114, %dma_wait3A_115] : memref<4096x16xf32, #tpu.memory_space<vmem>> -> memref<64x16xf32, #tpu.memory_space<vmem>>
      %dma_wait3A_117 = arith.constant 0 : i32
      %dma_wait3A_118 = arith.constant 0 : i32
      %dma_wait3A_119 = tpu.memref_slice %arg2[%dma_wait3A_117, %dma_wait3A_118] : memref<24576x16xf32, #tpu.memory_space<hbm>> -> memref<64x16xf32, #tpu.memory_space<hbm>>
      tpu.wait_dma2 semaphore(%arg20 : memref<!tpu.dma_semaphore, #tpu.memory_space<semaphore_mem>>) src(%dma_wait3A_119 : memref<64x16xf32, #tpu.memory_space<hbm>>) dst(%dma_wait3A_116 : memref<64x16xf32, #tpu.memory_space<vmem>>)
      %while3A_120 = arith.constant 0 : i32
      scf.yield %while3A_120 : i32
    }
    %mul3A_87 = arith.constant 4 : i32
    %mul3A_88 = arith.muli %mul3A_87, %shift_right_logical3A_53 : i32
    %broadcast_in_dim3A_89 = arith.constant 0.000000e+00 : f32
    %broadcast_in_dim3A_90 = vector.broadcast %broadcast_in_dim3A_89 : f32 to vector<16xf32>
    %while3A_91 = arith.constant 0 : i32
    %while3A_92 = arith.subi %mul3A_88, %while3A_91 : i32
    %while3A_93 = arith.addi %while3A_91, %while3A_92 : i32
    %while3A_94 = arith.constant 1 : i32
    %while3A_95 = arith.divsi %while3A_92, %while3A_94 : i32
    %while3A_96 = arith.muli %while3A_95, %while3A_94 : i32
    %while3A_97 = arith.addi %while3A_91, %while3A_96 : i32
    %while3A_98 = arith.constant 1 : i32
    %while3A_99 = scf.for %while3A_106 = %while3A_91 to %while3A_97 step %while3A_98 iter_args(%while3A_107 = %broadcast_in_dim3A_90) -> (vector<16xf32>)  : i32 {
      %mul3A_108 = arith.constant 16 : i32
      %mul3A_109 = arith.muli %while3A_106, %mul3A_108 : i32
      %get3A = arith.index_cast %mul3A_109 : i32 to index
      %get3A_110 = tpu.vector_load %arg14[%get3A] {strides = array<i32>} : memref<2112xi32, #tpu.memory_space<vmem>>, vector<16xi32>,
      %gather3A = tpu.vector_load_idx %arg9[%get3A_110] : memref<2048xi32, #tpu.memory_space<vmem>>[vector<16xi32>], vector<16xi32>,
      %gather3A_111 = tpu.vector_load_idx %arg10[%get3A_110] : memref<2048xi32, #tpu.memory_space<vmem>>[vector<16xi32>], vector<16xi32>,
      %add3A_112 = vector.broadcast %mul3A_109 : i32 to vector<16xi32>
      %add3A_113 = arith.addi %add3A_112, %iota3A : vector<16xi32>
      %and3A = arith.constant 15 : i32
      %and3A_114 = vector.broadcast %and3A : i32 to vector<16xi32>
      %and3A_115 = arith.andi %gather3A, %and3A_114 : vector<16xi32>
      %add3A_116 = arith.constant 0 : i32
      %add3A_117 = vector.broadcast %add3A_116 : i32 to vector<16xi32>
      %add3A_118 = arith.addi %and3A_115, %add3A_117 : vector<16xi32>
      %ge3A = arith.constant 16 : i32
      %ge3A_119 = vector.broadcast %ge3A : i32 to vector<16xi32>
      %ge3A_120 = arith.cmpi sge, %add3A_118, %ge3A_119 : vector<16xi32>
      %jit3A = arith.constant 2048 : i32
      %jit3A_121 = arith.constant 0 : i32
      %broadcast_in_dim3A_122 = vector.broadcast %jit3A : i32 to vector<16xi32>
      %broadcast_in_dim3A_123 = vector.broadcast %jit3A_121 : i32 to vector<16xi32>
      %select_n3A = arith.select %ge3A_120, %broadcast_in_dim3A_122, %broadcast_in_dim3A_123 : vector<16xi1>, vector<16xi32>
      %add3A_124 = arith.addi %add3A_113, %select_n3A : vector<16xi32>
      %and3A_125 = arith.constant 15 : i32
      %and3A_126 = vector.broadcast %and3A_125 : i32 to vector<16xi32>
      %and3A_127 = arith.andi %add3A_118, %and3A_126 : vector<16xi32>
      %gather3A_128 = tpu.vector_load_idx %arg17[%add3A_124, %and3A_127] : memref<4096x16xf32, #tpu.memory_space<vmem>>[vector<16xi32>, vector<16xi32>], vector<16xf32>,
      %add3A_129 = arith.constant 1 : i32
      %add3A_130 = vector.broadcast %add3A_129 : i32 to vector<16xi32>
      %add3A_131 = arith.addi %and3A_115, %add3A_130 : vector<16xi32>
      %ge3A_132 = arith.constant 16 : i32
      %ge3A_133 = vector.broadcast %ge3A_132 : i32 to vector<16xi32>
      %ge3A_134 = arith.cmpi sge, %add3A_131, %ge3A_133 : vector<16xi32>
      %jit3A_135 = arith.constant 2048 : i32
      %jit3A_136 = arith.constant 0 : i32
      %broadcast_in_dim3A_137 = vector.broadcast %jit3A_135 : i32 to vector<16xi32>
      %broadcast_in_dim3A_138 = vector.broadcast %jit3A_136 : i32 to vector<16xi32>
      %select_n3A_139 = arith.select %ge3A_134, %broadcast_in_dim3A_137, %broadcast_in_dim3A_138 : vector<16xi1>, vector<16xi32>
      %add3A_140 = arith.addi %add3A_113, %select_n3A_139 : vector<16xi32>
      %and3A_141 = arith.constant 15 : i32
      %and3A_142 = vector.broadcast %and3A_141 : i32 to vector<16xi32>
      %and3A_143 = arith.andi %add3A_131, %and3A_142 : vector<16xi32>
      %gather3A_144 = tpu.vector_load_idx %arg17[%add3A_140, %and3A_143] : memref<4096x16xf32, #tpu.memory_space<vmem>>[vector<16xi32>, vector<16xi32>], vector<16xf32>,
      %add3A_145 = arith.addf %gather3A_128, %gather3A_144 : vector<16xf32>
      %add3A_146 = arith.constant 2 : i32
      %add3A_147 = vector.broadcast %add3A_146 : i32 to vector<16xi32>
      %add3A_148 = arith.addi %and3A_115, %add3A_147 : vector<16xi32>
      %ge3A_149 = arith.constant 16 : i32
      %ge3A_150 = vector.broadcast %ge3A_149 : i32 to vector<16xi32>
      %ge3A_151 = arith.cmpi sge, %add3A_148, %ge3A_150 : vector<16xi32>
      %jit3A_152 = arith.constant 2048 : i32
      %jit3A_153 = arith.constant 0 : i32
      %broadcast_in_dim3A_154 = vector.broadcast %jit3A_152 : i32 to vector<16xi32>
      %broadcast_in_dim3A_155 = vector.broadcast %jit3A_153 : i32 to vector<16xi32>
      %select_n3A_156 = arith.select %ge3A_151, %broadcast_in_dim3A_154, %broadcast_in_dim3A_155 : vector<16xi1>, vector<16xi32>
      %add3A_157 = arith.addi %add3A_113, %select_n3A_156 : vector<16xi32>
      %and3A_158 = arith.constant 15 : i32
      %and3A_159 = vector.broadcast %and3A_158 : i32 to vector<16xi32>
      %and3A_160 = arith.andi %add3A_148, %and3A_159 : vector<16xi32>
      %gather3A_161 = tpu.vector_load_idx %arg17[%add3A_157, %and3A_160] : memref<4096x16xf32, #tpu.memory_space<vmem>>[vector<16xi32>, vector<16xi32>], vector<16xf32>,
      %add3A_162 = arith.addf %add3A_145, %gather3A_161 : vector<16xf32>
      %add3A_163 = arith.constant 3 : i32
      %add3A_164 = vector.broadcast %add3A_163 : i32 to vector<16xi32>
      %add3A_165 = arith.addi %and3A_115, %add3A_164 : vector<16xi32>
      %ge3A_166 = arith.constant 16 : i32
      %ge3A_167 = vector.broadcast %ge3A_166 : i32 to vector<16xi32>
      %ge3A_168 = arith.cmpi sge, %add3A_165, %ge3A_167 : vector<16xi32>
      %jit3A_169 = arith.constant 2048 : i32
      %jit3A_170 = arith.constant 0 : i32
      %broadcast_in_dim3A_171 = vector.broadcast %jit3A_169 : i32 to vector<16xi32>
      %broadcast_in_dim3A_172 = vector.broadcast %jit3A_170 : i32 to vector<16xi32>
      %select_n3A_173 = arith.select %ge3A_168, %broadcast_in_dim3A_171, %broadcast_in_dim3A_172 : vector<16xi1>, vector<16xi32>
      %add3A_174 = arith.addi %add3A_113, %select_n3A_173 : vector<16xi32>
      %and3A_175 = arith.constant 15 : i32
      %and3A_176 = vector.broadcast %and3A_175 : i32 to vector<16xi32>
      %and3A_177 = arith.andi %add3A_165, %and3A_176 : vector<16xi32>
      %gather3A_178 = tpu.vector_load_idx %arg17[%add3A_174, %and3A_177] : memref<4096x16xf32, #tpu.memory_space<vmem>>[vector<16xi32>, vector<16xi32>], vector<16xf32>,
      %add3A_179 = arith.addf %add3A_162, %gather3A_178 : vector<16xf32>
      %add3A_180 = arith.constant 4 : i32
      %add3A_181 = vector.broadcast %add3A_180 : i32 to vector<16xi32>
      %add3A_182 = arith.addi %and3A_115, %add3A_181 : vector<16xi32>
      %ge3A_183 = arith.constant 16 : i32
      %ge3A_184 = vector.broadcast %ge3A_183 : i32 to vector<16xi32>
      %ge3A_185 = arith.cmpi sge, %add3A_182, %ge3A_184 : vector<16xi32>
      %jit3A_186 = arith.constant 2048 : i32
      %jit3A_187 = arith.constant 0 : i32
      %broadcast_in_dim3A_188 = vector.broadcast %jit3A_186 : i32 to vector<16xi32>
      %broadcast_in_dim3A_189 = vector.broadcast %jit3A_187 : i32 to vector<16xi32>
      %select_n3A_190 = arith.select %ge3A_185, %broadcast_in_dim3A_188, %broadcast_in_dim3A_189 : vector<16xi1>, vector<16xi32>
      %add3A_191 = arith.addi %add3A_113, %select_n3A_190 : vector<16xi32>
      %and3A_192 = arith.constant 15 : i32
      %and3A_193 = vector.broadcast %and3A_192 : i32 to vector<16xi32>
      %and3A_194 = arith.andi %add3A_182, %and3A_193 : vector<16xi32>
      %gather3A_195 = tpu.vector_load_idx %arg17[%add3A_191, %and3A_194] : memref<4096x16xf32, #tpu.memory_space<vmem>>[vector<16xi32>, vector<16xi32>], vector<16xf32>,
      %add3A_196 = arith.addf %add3A_179, %gather3A_195 : vector<16xf32>
      %add3A_197 = arith.constant 5 : i32
      %add3A_198 = vector.broadcast %add3A_197 : i32 to vector<16xi32>
      %add3A_199 = arith.addi %and3A_115, %add3A_198 : vector<16xi32>
      %ge3A_200 = arith.constant 16 : i32
      %ge3A_201 = vector.broadcast %ge3A_200 : i32 to vector<16xi32>
      %ge3A_202 = arith.cmpi sge, %add3A_199, %ge3A_201 : vector<16xi32>
      %jit3A_203 = arith.constant 2048 : i32
      %jit3A_204 = arith.constant 0 : i32
      %broadcast_in_dim3A_205 = vector.broadcast %jit3A_203 : i32 to vector<16xi32>
      %broadcast_in_dim3A_206 = vector.broadcast %jit3A_204 : i32 to vector<16xi32>
      %select_n3A_207 = arith.select %ge3A_202, %broadcast_in_dim3A_205, %broadcast_in_dim3A_206 : vector<16xi1>, vector<16xi32>
      %add3A_208 = arith.addi %add3A_113, %select_n3A_207 : vector<16xi32>
      %and3A_209 = arith.constant 15 : i32
      %and3A_210 = vector.broadcast %and3A_209 : i32 to vector<16xi32>
      %and3A_211 = arith.andi %add3A_199, %and3A_210 : vector<16xi32>
      %gather3A_212 = tpu.vector_load_idx %arg17[%add3A_208, %and3A_211] : memref<4096x16xf32, #tpu.memory_space<vmem>>[vector<16xi32>, vector<16xi32>], vector<16xf32>,
      %add3A_213 = arith.addf %add3A_196, %gather3A_212 : vector<16xf32>
      %le3A = arith.constant 0 : i32
      %le3A_214 = vector.broadcast %le3A : i32 to vector<16xi32>
      %le3A_215 = arith.cmpi sle, %gather3A_111, %le3A_214 : vector<16xi32>
      %eq3A = arith.constant 1 : i32
      %eq3A_216 = vector.broadcast %eq3A : i32 to vector<16xi32>
      %eq3A_217 = arith.cmpi eq, %gather3A_111, %eq3A_216 : vector<16xi32>
      %select_n3A_218 = arith.select %eq3A_217, %add3A_179, %add3A_213 : vector<16xi1>, vector<16xf32>
      %select_n3A_219 = arith.select %le3A_215, %gather3A_128, %select_n3A_218 : vector<16xi1>, vector<16xf32>
      %abs3A = math.absf %select_n3A_219 : vector<16xf32>
      %lt3A = vector.broadcast %scan3A_33 : i32 to vector<16xi32>
      %lt3A_220 = arith.cmpi slt, %add3A_113, %lt3A : vector<16xi32>
      %ge3A_221 = arith.constant 0 : i32
      %ge3A_222 = vector.broadcast %ge3A_221 : i32 to vector<16xi32>
      %ge3A_223 = arith.cmpi sge, %gather3A, %ge3A_222 : vector<16xi32>
      %and3A_224 = arith.andi %lt3A_220, %ge3A_223 : vector<16xi1>
      %jit3A_225 = arith.constant 0.000000e+00 : f32
      %broadcast_in_dim3A_226 = vector.broadcast %jit3A_225 : f32 to vector<16xf32>
      %select_n3A_227 = arith.select %and3A_224, %abs3A, %broadcast_in_dim3A_226 : vector<16xi1>, vector<16xf32>
      %add3A_228 = arith.addf %while3A_107, %select_n3A_227 : vector<16xf32>
      scf.yield %add3A_228 : vector<16xf32>
    }
    %while3A_100 = arith.constant 1 : i32
    %while3A_101 = scf.for %while3A_106 = %while3A_97 to %while3A_93 step %while3A_100 iter_args(%while3A_107 = %while3A_99) -> (vector<16xf32>)  : i32 {
      %mul3A_108 = arith.constant 16 : i32
      %mul3A_109 = arith.muli %while3A_106, %mul3A_108 : i32
      %get3A = arith.index_cast %mul3A_109 : i32 to index
      %get3A_110 = tpu.vector_load %arg14[%get3A] {strides = array<i32>} : memref<2112xi32, #tpu.memory_space<vmem>>, vector<16xi32>,
      %gather3A = tpu.vector_load_idx %arg9[%get3A_110] : memref<2048xi32, #tpu.memory_space<vmem>>[vector<16xi32>], vector<16xi32>,
      %gather3A_111 = tpu.vector_load_idx %arg10[%get3A_110] : memref<2048xi32, #tpu.memory_space<vmem>>[vector<16xi32>], vector<16xi32>,
      %add3A_112 = vector.broadcast %mul3A_109 : i32 to vector<16xi32>
      %add3A_113 = arith.addi %add3A_112, %iota3A : vector<16xi32>
      %and3A = arith.constant 15 : i32
      %and3A_114 = vector.broadcast %and3A : i32 to vector<16xi32>
      %and3A_115 = arith.andi %gather3A, %and3A_114 : vector<16xi32>
      %add3A_116 = arith.constant 0 : i32
      %add3A_117 = vector.broadcast %add3A_116 : i32 to vector<16xi32>
      %add3A_118 = arith.addi %and3A_115, %add3A_117 : vector<16xi32>
      %ge3A = arith.constant 16 : i32
      %ge3A_119 = vector.broadcast %ge3A : i32 to vector<16xi32>
      %ge3A_120 = arith.cmpi sge, %add3A_118, %ge3A_119 : vector<16xi32>
      %jit3A = arith.constant 2048 : i32
      %jit3A_121 = arith.constant 0 : i32
      %broadcast_in_dim3A_122 = vector.broadcast %jit3A : i32 to vector<16xi32>
      %broadcast_in_dim3A_123 = vector.broadcast %jit3A_121 : i32 to vector<16xi32>
      %select_n3A = arith.select %ge3A_120, %broadcast_in_dim3A_122, %broadcast_in_dim3A_123 : vector<16xi1>, vector<16xi32>
      %add3A_124 = arith.addi %add3A_113, %select_n3A : vector<16xi32>
      %and3A_125 = arith.constant 15 : i32
      %and3A_126 = vector.broadcast %and3A_125 : i32 to vector<16xi32>
      %and3A_127 = arith.andi %add3A_118, %and3A_126 : vector<16xi32>
      %gather3A_128 = tpu.vector_load_idx %arg17[%add3A_124, %and3A_127] : memref<4096x16xf32, #tpu.memory_space<vmem>>[vector<16xi32>, vector<16xi32>], vector<16xf32>,
      %add3A_129 = arith.constant 1 : i32
      %add3A_130 = vector.broadcast %add3A_129 : i32 to vector<16xi32>
      %add3A_131 = arith.addi %and3A_115, %add3A_130 : vector<16xi32>
      %ge3A_132 = arith.constant 16 : i32
      %ge3A_133 = vector.broadcast %ge3A_132 : i32 to vector<16xi32>
      %ge3A_134 = arith.cmpi sge, %add3A_131, %ge3A_133 : vector<16xi32>
      %jit3A_135 = arith.constant 2048 : i32
      %jit3A_136 = arith.constant 0 : i32
      %broadcast_in_dim3A_137 = vector.broadcast %jit3A_135 : i32 to vector<16xi32>
      %broadcast_in_dim3A_138 = vector.broadcast %jit3A_136 : i32 to vector<16xi32>
      %select_n3A_139 = arith.select %ge3A_134, %broadcast_in_dim3A_137, %broadcast_in_dim3A_138 : vector<16xi1>, vector<16xi32>
      %add3A_140 = arith.addi %add3A_113, %select_n3A_139 : vector<16xi32>
      %and3A_141 = arith.constant 15 : i32
      %and3A_142 = vector.broadcast %and3A_141 : i32 to vector<16xi32>
      %and3A_143 = arith.andi %add3A_131, %and3A_142 : vector<16xi32>
      %gather3A_144 = tpu.vector_load_idx %arg17[%add3A_140, %and3A_143] : memref<4096x16xf32, #tpu.memory_space<vmem>>[vector<16xi32>, vector<16xi32>], vector<16xf32>,
      %add3A_145 = arith.addf %gather3A_128, %gather3A_144 : vector<16xf32>
      %add3A_146 = arith.constant 2 : i32
      %add3A_147 = vector.broadcast %add3A_146 : i32 to vector<16xi32>
      %add3A_148 = arith.addi %and3A_115, %add3A_147 : vector<16xi32>
      %ge3A_149 = arith.constant 16 : i32
      %ge3A_150 = vector.broadcast %ge3A_149 : i32 to vector<16xi32>
      %ge3A_151 = arith.cmpi sge, %add3A_148, %ge3A_150 : vector<16xi32>
      %jit3A_152 = arith.constant 2048 : i32
      %jit3A_153 = arith.constant 0 : i32
      %broadcast_in_dim3A_154 = vector.broadcast %jit3A_152 : i32 to vector<16xi32>
      %broadcast_in_dim3A_155 = vector.broadcast %jit3A_153 : i32 to vector<16xi32>
      %select_n3A_156 = arith.select %ge3A_151, %broadcast_in_dim3A_154, %broadcast_in_dim3A_155 : vector<16xi1>, vector<16xi32>
      %add3A_157 = arith.addi %add3A_113, %select_n3A_156 : vector<16xi32>
      %and3A_158 = arith.constant 15 : i32
      %and3A_159 = vector.broadcast %and3A_158 : i32 to vector<16xi32>
      %and3A_160 = arith.andi %add3A_148, %and3A_159 : vector<16xi32>
      %gather3A_161 = tpu.vector_load_idx %arg17[%add3A_157, %and3A_160] : memref<4096x16xf32, #tpu.memory_space<vmem>>[vector<16xi32>, vector<16xi32>], vector<16xf32>,
      %add3A_162 = arith.addf %add3A_145, %gather3A_161 : vector<16xf32>
      %add3A_163 = arith.constant 3 : i32
      %add3A_164 = vector.broadcast %add3A_163 : i32 to vector<16xi32>
      %add3A_165 = arith.addi %and3A_115, %add3A_164 : vector<16xi32>
      %ge3A_166 = arith.constant 16 : i32
      %ge3A_167 = vector.broadcast %ge3A_166 : i32 to vector<16xi32>
      %ge3A_168 = arith.cmpi sge, %add3A_165, %ge3A_167 : vector<16xi32>
      %jit3A_169 = arith.constant 2048 : i32
      %jit3A_170 = arith.constant 0 : i32
      %broadcast_in_dim3A_171 = vector.broadcast %jit3A_169 : i32 to vector<16xi32>
      %broadcast_in_dim3A_172 = vector.broadcast %jit3A_170 : i32 to vector<16xi32>
      %select_n3A_173 = arith.select %ge3A_168, %broadcast_in_dim3A_171, %broadcast_in_dim3A_172 : vector<16xi1>, vector<16xi32>
      %add3A_174 = arith.addi %add3A_113, %select_n3A_173 : vector<16xi32>
      %and3A_175 = arith.constant 15 : i32
      %and3A_176 = vector.broadcast %and3A_175 : i32 to vector<16xi32>
      %and3A_177 = arith.andi %add3A_165, %and3A_176 : vector<16xi32>
      %gather3A_178 = tpu.vector_load_idx %arg17[%add3A_174, %and3A_177] : memref<4096x16xf32, #tpu.memory_space<vmem>>[vector<16xi32>, vector<16xi32>], vector<16xf32>,
      %add3A_179 = arith.addf %add3A_162, %gather3A_178 : vector<16xf32>
      %add3A_180 = arith.constant 4 : i32
      %add3A_181 = vector.broadcast %add3A_180 : i32 to vector<16xi32>
      %add3A_182 = arith.addi %and3A_115, %add3A_181 : vector<16xi32>
      %ge3A_183 = arith.constant 16 : i32
      %ge3A_184 = vector.broadcast %ge3A_183 : i32 to vector<16xi32>
      %ge3A_185 = arith.cmpi sge, %add3A_182, %ge3A_184 : vector<16xi32>
      %jit3A_186 = arith.constant 2048 : i32
      %jit3A_187 = arith.constant 0 : i32
      %broadcast_in_dim3A_188 = vector.broadcast %jit3A_186 : i32 to vector<16xi32>
      %broadcast_in_dim3A_189 = vector.broadcast %jit3A_187 : i32 to vector<16xi32>
      %select_n3A_190 = arith.select %ge3A_185, %broadcast_in_dim3A_188, %broadcast_in_dim3A_189 : vector<16xi1>, vector<16xi32>
      %add3A_191 = arith.addi %add3A_113, %select_n3A_190 : vector<16xi32>
      %and3A_192 = arith.constant 15 : i32
      %and3A_193 = vector.broadcast %and3A_192 : i32 to vector<16xi32>
      %and3A_194 = arith.andi %add3A_182, %and3A_193 : vector<16xi32>
      %gather3A_195 = tpu.vector_load_idx %arg17[%add3A_191, %and3A_194] : memref<4096x16xf32, #tpu.memory_space<vmem>>[vector<16xi32>, vector<16xi32>], vector<16xf32>,
      %add3A_196 = arith.addf %add3A_179, %gather3A_195 : vector<16xf32>
      %add3A_197 = arith.constant 5 : i32
      %add3A_198 = vector.broadcast %add3A_197 : i32 to vector<16xi32>
      %add3A_199 = arith.addi %and3A_115, %add3A_198 : vector<16xi32>
      %ge3A_200 = arith.constant 16 : i32
      %ge3A_201 = vector.broadcast %ge3A_200 : i32 to vector<16xi32>
      %ge3A_202 = arith.cmpi sge, %add3A_199, %ge3A_201 : vector<16xi32>
      %jit3A_203 = arith.constant 2048 : i32
      %jit3A_204 = arith.constant 0 : i32
      %broadcast_in_dim3A_205 = vector.broadcast %jit3A_203 : i32 to vector<16xi32>
      %broadcast_in_dim3A_206 = vector.broadcast %jit3A_204 : i32 to vector<16xi32>
      %select_n3A_207 = arith.select %ge3A_202, %broadcast_in_dim3A_205, %broadcast_in_dim3A_206 : vector<16xi1>, vector<16xi32>
      %add3A_208 = arith.addi %add3A_113, %select_n3A_207 : vector<16xi32>
      %and3A_209 = arith.constant 15 : i32
      %and3A_210 = vector.broadcast %and3A_209 : i32 to vector<16xi32>
      %and3A_211 = arith.andi %add3A_199, %and3A_210 : vector<16xi32>
      %gather3A_212 = tpu.vector_load_idx %arg17[%add3A_208, %and3A_211] : memref<4096x16xf32, #tpu.memory_space<vmem>>[vector<16xi32>, vector<16xi32>], vector<16xf32>,
      %add3A_213 = arith.addf %add3A_196, %gather3A_212 : vector<16xf32>
      %le3A = arith.constant 0 : i32
      %le3A_214 = vector.broadcast %le3A : i32 to vector<16xi32>
      %le3A_215 = arith.cmpi sle, %gather3A_111, %le3A_214 : vector<16xi32>
      %eq3A = arith.constant 1 : i32
      %eq3A_216 = vector.broadcast %eq3A : i32 to vector<16xi32>
      %eq3A_217 = arith.cmpi eq, %gather3A_111, %eq3A_216 : vector<16xi32>
      %select_n3A_218 = arith.select %eq3A_217, %add3A_179, %add3A_213 : vector<16xi1>, vector<16xf32>
      %select_n3A_219 = arith.select %le3A_215, %gather3A_128, %select_n3A_218 : vector<16xi1>, vector<16xf32>
      %abs3A = math.absf %select_n3A_219 : vector<16xf32>
      %lt3A = vector.broadcast %scan3A_33 : i32 to vector<16xi32>
      %lt3A_220 = arith.cmpi slt, %add3A_113, %lt3A : vector<16xi32>
      %ge3A_221 = arith.constant 0 : i32
      %ge3A_222 = vector.broadcast %ge3A_221 : i32 to vector<16xi32>
      %ge3A_223 = arith.cmpi sge, %gather3A, %ge3A_222 : vector<16xi32>
      %and3A_224 = arith.andi %lt3A_220, %ge3A_223 : vector<16xi1>
      %jit3A_225 = arith.constant 0.000000e+00 : f32
      %broadcast_in_dim3A_226 = vector.broadcast %jit3A_225 : f32 to vector<16xf32>
      %select_n3A_227 = arith.select %and3A_224, %abs3A, %broadcast_in_dim3A_226 : vector<16xi1>, vector<16xf32>
      %add3A_228 = arith.addf %while3A_107, %select_n3A_227 : vector<16xf32>
      scf.yield %add3A_228 : vector<16xf32>
    }
    %swap3A_102 = arith.constant 0 : index
    %swap3A_103 = tpu.vector_load %arg18[%swap3A_102] {strides = array<i32>} : memref<16xf32, #tpu.memory_space<vmem>>, vector<16xf32>,
    tpu.vector_store %arg18[%swap3A_102], %while3A_101 {strides = array<i32>} : memref<16xf32, #tpu.memory_space<vmem>>, vector<16xf32>,
    %mul3A_104 = arith.constant 16 : i32
    %mul3A_105 = arith.muli %add3A, %mul3A_104 : i32
    "tpu.region"() ({
      %run_scoped3A = tpu.sem_alloc : memref<!tpu.dma_semaphore, #tpu.memory_space<semaphore_mem>>
      %dma_start3A_106 = tpu.memref_slice %arg8[%mul3A_105] : memref<512xf32, #tpu.memory_space<hbm>> -> memref<16xf32, #tpu.memory_space<hbm>>
      %dma_start3A_107 = tpu.memref_slice %arg8[%mul3A_105] : memref<512xf32, #tpu.memory_space<hbm>> -> memref<16xf32, #tpu.memory_space<hbm>>
      tpu.enqueue_dma source(%arg18 : memref<16xf32, #tpu.memory_space<vmem>>) target(%dma_start3A_107 : memref<16xf32, #tpu.memory_space<hbm>>) target_semaphore(%run_scoped3A : memref<!tpu.dma_semaphore, #tpu.memory_space<semaphore_mem>>)
      %dma_wait3A_108 = tpu.memref_slice %arg8[%mul3A_105] : memref<512xf32, #tpu.memory_space<hbm>> -> memref<16xf32, #tpu.memory_space<hbm>>
      %dma_wait3A_109 = tpu.memref_slice %arg8[%mul3A_105] : memref<512xf32, #tpu.memory_space<hbm>> -> memref<16xf32, #tpu.memory_space<hbm>>
      tpu.wait_dma2 semaphore(%run_scoped3A : memref<!tpu.dma_semaphore, #tpu.memory_space<semaphore_mem>>) src(%arg18 : memref<16xf32, #tpu.memory_space<vmem>>) dst(%dma_wait3A_109 : memref<16xf32, #tpu.memory_space<hbm>>)
      tpu.yield
    }) : () -> ()
    return
  }
}

</mosaic_0001>

<sc_bundles>
// kernel: _run.3.cloned.1.call-start
scs
__scs_entry_jumppad:
0x0: {  	(pc) =	sbr.rel $0x88, $3  }
0x1: {  	(tag) =	ssettag $0x0;
	lr =	simm.s32 $0x1  }
0x2: {  	[smem:$0x3F9B] =	sst lr;
	_ =	strace $0xD0000000  }
0x3: {  	_ = 	snop  }
0x4: {  	_ = 	snop  }
0x5: {  	_ = 	snop  }
0x6: {  	_ = 	snop  }
0x7: {  	_ = 	snop  }
__scs_overlays_trampoline_lowered:
0x8: {  	[smem:$0x3FAA] =	sst s0  }
0x9: {  	[smem:$0x3FAB] =	sst s1  }
0xa: {  	[smem:$0x3FAC] =	sst s2  }
0xb: {  	[smem:$0x3FAD] =	sst s3  }
0xc: {  	[smem:$0x3FAE] =	sst s4  }
0xd: {  	[smem:$0x3FAF] =	sst s5  }
0xe: {  	[smem:$0x3FB0] =	sst s6  }
0xf: {  	[smem:$0x3FB1] =	sst s7  }
0x10: {  	[smem:$0x3FB2] =	sst s8  }
0x11: {  	[smem:$0x3FB3] =	sst s9;
	s0 =	simm.s32 @!p0 $0x0  }
0x12: {  	s1 =	sld [smem:$0x3F99];
	s0 =	simm.s32 @p0 $0x1  }
0x13: {  	[smem:$0x3FB4] =	sst s0;
	s0 =	simm.s32 @!p1 $0x0  }
0x14: {  	s2 =	sld [smem:$0x3F98];
	s0 =	simm.s32 @p1 $0x1  }
0x15: {  	[smem:$0x3FB5] =	sst s0;
	s0 =	simm.s32 @!p2 $0x0  }
0x16: {  	s3 =	sld [smem:$0x3FDB];
	s0 =	simm.s32 @p2 $0x1  }
0x17: {  	s4 =	simm.s32 $0x1BF5;
	[smem:$0x3FB7] =	sst s0  }
0x18: {  	s0 =	sld [smem:$0x3F9A];
	_ =	swait.ge [sflag:s4], $0x0  }
0x19: {  	s7 =	sld [smem:$0x3F9B]  }
0x1a: {  	s8 =	sadd.s32 $0xFFFFE003, lr  }
0x1b: {  	s9 =	sadd.s32 $0xFFFFFEF7, lr;
	s5 =	simm.s32 $0xFFFFFFFF;
	p2 =	slt.u32 s8, $0xFFFFF086  }
0x1c: {  	p1 =	slt.u32 s9, $0xF7A;
	s5 =	simm.s32 @!p2 $0x0  }
0x1d: {  	s5 =	simm.s32 @p1 $0x1;
	p0 =	seq.s32 s7, s2  }
0x1e: {  	s7 =	smul.u32 @!p0 $0xF7A, s2;
	p2 =	seq.s32 @!p0 s5, $0x0  }
0x1f: {  	s9 =	smul.u32 $0xF7A, s1;
	s8 =	simm.s32 @!p0 $0x1BF5;
	p2 =	por !p2, p0  }
0x20: {  	[sflag:s8] =	ssyncset.s32 @!p0 $0xFFFFF086;
	s6 =	sadd.s32 @!p0 s3, s7;
	s7 =	simm.s32 @!p0 $0x108  }
0x21: {  	s3 =	sadd.s32 s3, s9;
	s6 =	sadd.s32 @!p0 $0x88, s6;
	s7 =	simm.s32 @p2 $0x1082  }
0x22: {  	[simem:s7], [sflag:s8] =	dma.local @!p0 [hbm:s6], $0xF7A  }
0x23: {  	s9 =	sor.u32 $0xD0000000, s2;
	s6 =	simm.s32 $0x108;
	_ =	swait.ge @!p0 [sflag:s8], $0x0  }
0x24: {  	s3 =	sadd.s32 $0x88, s3;
	s6 =	simm.s32 @!p1 $0x1082;
	[sflag:s4] =	ssyncset.s32 $0xFFFFF086  }
0x25: {  	[simem:s6], [sflag:s4] =	dma.local [hbm:s3], $0xF7A  }
0x26: {  	[smem:$0x3F9B] =	sst s1;
	(tag) =	ssettag s2;
	_ =	strace s9  }
0x27: {  	s1 =	sld [smem:$0x3FAB]  }
0x28: {  	s2 =	sld [smem:$0x3FAC]  }
0x29: {  	s4 =	sld [smem:$0x3FAE]  }
0x2a: {  	p0 =	seq.s32 s5, $0x0;
	s5 =	sld [smem:$0x3FAF]  }
0x2b: {  	s6 =	sld [smem:$0x3FB0]  }
0x2c: {  	s7 =	sld [smem:$0x3FB1]  }
0x2d: {  	s3 =	simm.s32 $0x108;
	s8 =	sld [smem:$0x3FB2]  }
0x2e: {  	s3 =	simm.s32 @!p0 $0x1082;
	s9 =	sld [smem:$0x3FB3]  }
0x2f: {  	lr =	sadd.s32 s0, s3;
	s0 =	sld [smem:$0x3FAA]  }
0x30: {  	s3 =	sld [smem:$0x3FAD]  }
0x31: {  	[smem:$0x3FB6] =	sst s10  }
0x32: {  	s10 =	sld [smem:$0x3FB4];
	_ =	sdelay $0x3  }
0x33: {  	p0 =	seq.s32 s10, $0x1;
	s10 =	sld [smem:$0x3FB6];
	_ =	sdelay $0x3  }
0x34: {  	[smem:$0x3FB6] =	sst s10  }
0x35: {  	s10 =	sld [smem:$0x3FB5];
	_ =	sdelay $0x3  }
0x36: {  	p1 =	seq.s32 s10, $0x1;
	s10 =	sld [smem:$0x3FB6];
	_ =	sdelay $0x3  }
0x37: {  	[smem:$0x3FB6] =	sst s10  }
0x38: {  	s10 =	sld [smem:$0x3FB7]  }
0x39: {  	_ = 	snop;
	(pc) =	sbr.ind lr, $3  }
0x3a: {  	_ = 	snop  }
0x3b: {  	_ = 	snop  }
0x3c: {  	p2 =	seq.s32 s10, $0x1;
	s10 =	sld [smem:$0x3FB6]  }
0x3d: {  	_ =	shalt  }
0x3e: {  	_ =	shalt  }
0x3f: {  	_ =	shalt  }
0x40: {  	_ =	shalt  }
0x41: {  	_ =	shalt  }
0x42: {  	_ =	shalt  }
0x43: {  	_ =	shalt  }
0x44: {  	_ =	shalt  }
0x45: {  	_ =	shalt  }
0x46: {  	_ =	shalt  }
0x47: {  	_ =	shalt  }
0x48: {  	_ =	shalt  }
0x49: {  	_ =	shalt  }
0x4a: {  	_ =	shalt  }
0x4b: {  	_ =	shalt  }
0x4c: {  	_ =	shalt  }
0x4d: {  	_ =	shalt  }
0x4e: {  	_ =	shalt  }
0x4f: {  	_ =	shalt  }
0x50: {  	_ =	shalt  }
0x51: {  	_ =	shalt  }
0x52: {  	_ =	shalt  }
0x53: {  	_ =	shalt  }
0x54: {  	_ =	shalt  }
0x55: {  	_ =	shalt  }
0x56: {  	_ =	shalt  }
0x57: {  	_ =	shalt  }
0x58: {  	_ =	shalt  }
0x59: {  	_ =	shalt  }
0x5a: {  	_ =	shalt  }
0x5b: {  	_ =	shalt  }
0x5c: {  	_ =	shalt  }
0x5d: {  	_ =	shalt  }
0x5e: {  	_ =	shalt  }
0x5f: {  	_ =	shalt  }
0x60: {  	_ =	shalt  }
0x61: {  	_ =	shalt  }
0x62: {  	_ =	shalt  }
0x63: {  	_ =	shalt  }
0x64: {  	_ =	shalt  }
0x65: {  	_ =	shalt  }
0x66: {  	_ =	shalt  }
0x67: {  	_ =	shalt  }
0x68: {  	_ =	shalt  }
0x69: {  	_ =	shalt  }
0x6a: {  	_ =	shalt  }
0x6b: {  	_ =	shalt  }
0x6c: {  	_ =	shalt  }
0x6d: {  	_ =	shalt  }
0x6e: {  	_ =	shalt  }
0x6f: {  	_ =	shalt  }
0x70: {  	_ =	shalt  }
0x71: {  	_ =	shalt  }
0x72: {  	_ =	shalt  }
0x73: {  	_ =	shalt  }
0x74: {  	_ =	shalt  }
0x75: {  	_ =	shalt  }
0x76: {  	_ =	shalt  }
0x77: {  	_ =	shalt  }
0x78: {  	_ =	shalt  }
0x79: {  	_ =	shalt  }
0x7a: {  	_ =	shalt  }
0x7b: {  	_ =	shalt  }
0x7c: {  	_ =	shalt  }
0x7d: {  	_ =	shalt  }
0x7e: {  	_ =	shalt  }
0x7f: {  	_ =	shalt  }
0x80: {  	_ =	shalt  }
0x81: {  	_ =	shalt  }
0x82: {  	_ =	shalt  }
0x83: {  	_ =	shalt  }
0x84: {  	_ =	shalt  }
0x85: {  	_ =	shalt  }
0x86: {  	_ =	shalt  }
0x87: {  	_ =	shalt  }
.Lfunc_end0:
.L_simem_size_0:
called_computation_lowered:
.L_overlay_start_0:
0x88: {  	s2 =	sld [smem:$0x3FD9]  }
0x89: {  	s3 =	sld [smem:$0x3FFE];
	_ =	sdelay $0x1  }
0x8a: {  	s1 =	srdreg.scid  }
0x8b: {  	s0 =	sand.u32 $0x1, s1  }
0x8c: {  	s17 =	sshll.u32 s0, $0xA;
	s2 =	sadd.s32 s3, s2  }
0x8d: {  	s2 =	sadd.s32 s2, s17  }
0x8e: {  	[smem:$0x3FC2] =	sst s2  }
0x8f: {  	_ = 	snop  }
0x90: {  	s2 =	sld [smem:$0x3FC8]  }
0x91: {  	s18 =	sld [smem:$0x3FC7]  }
0x92: {  	s4 =	sld [smem:$0x3FC6]  }
0x93: {  	s5 =	sld [smem:$0x3FC5]  }
0x94: {  	s6 =	sld [smem:$0x3FC4];
	(tm) =	ssettm $0x1  }
0x95: {  	s7 =	sld [smem:$0x3FFB];
	_ =	sdelay $0x3  }
0x96: {  	_ =	strace s7  }
0x97: {  	s7 =	sld [smem:$0x3FFC];
	_ =	sdelay $0x3  }
0x98: {  	_ =	strace s7  }
0x99: {  	s7 =	sld [smem:$0x3FFD];
	_ =	sdelay $0x3  }
0x9a: {  	_ =	strace s7  }
0x9b: {  	_ =	strace $0x8FFFFFFF  }
0x9c: {  	s19 =	sld [smem:$0x3FDB];
	_ =	sdelay $0x1  }
0x9d: {  	s8 =	simm.s32 $_scs_section_size  }
0x9e: {  	s9 =	simm.s32 $_size__tile_overlayer_lowered;
	s10 =	simm.s32 $_tile_overlayer_lowered  }
0x9f: {  	s22 =	simm.s32 $0x1BFF;
	s21 =	sshll.u32 s10, $0x1;
	s7 =	sadd.s32 s8, s19  }
0xa0: {  	s11 =	simm.s32 $0x0;
	s20 =	sshll.u32 s9, $0x1;
	s9 =	sadd.s32 s21, s7  }
0xa1: {  	[timem:s11], [sflag:s22] =	dma.local [hbm:s9], s20  }
0xa2: {  	_ =	swait.ge [sflag:s22], s20  }
0xa3: {  	s8 =	ssub.s32 $0x0, s20;
	[sflag:s22] =	ssyncset.done $0x0  }
0xa4: {  	[sflag:s22] =	ssyncadd.s32 s8;
	_ =	sdelay $0x1  }
0xa5: {  	s23 =	simm.s32 $0x1B8B  }
0xa6: {  	_ =	swait.ge [sflag:s23], $0x1  }
0xa7: {  	[sflag:s23] =	ssyncset.done $0x0  }
0xa8: {  	s25 =	simm.s32 $0x1B8E;
	s24 =	sld [smem:$0x3FFE];
	[sflag:s23] =	ssyncadd.s32 $0xFFFFFFFF  }
0xa9: {  	s26 =	simm.s32 $execute0_lowered;
	[smem:$0x3FD2] =	sst s25  }
0xaa: {  	s9 =	sshll.u32 s26, $0x1;
	_ =	strace $0x80000046;
	[dreg:$0x1] =	wrdreg $0xFFFFFFFF  }
0xab: {  	s28 =	simm.s32 $_size_execute0_lowered;
	s7 =	sadd.s32 s7, s9;
	[dreg:$0x0] =	wrdreg $0x0  }
0xac: {  	s9 =	sshll.u32 s28, $0x1;
	[dreg:$0x2] =	wrdreg s7  }
0xad: {  	[dreg:$0x3] =	wrdreg s9  }
0xae: {  	[dreg:$0x4] =	wrdreg $0xC0  }
0xaf: {  	_ =	task [dreg:s11], $0x5FFFF  }
0xb0: {  	[dreg:$0x1] =	wrdreg $0xFFFFFFFF  }
0xb1: {  	[dreg:$0x0] =	wrdreg $0x60  }
0xb2: {  	[dreg:$0x2] =	wrdreg s24  }
0xb3: {  	[dreg:$0x3] =	wrdreg s2  }
0xb4: {  	[dreg:$0x4] =	wrdreg s18  }
0xb5: {  	[dreg:$0x5] =	wrdreg s4  }
0xb6: {  	[dreg:$0x6] =	wrdreg s5  }
0xb7: {  	[dreg:$0x7] =	wrdreg s6  }
0xb8: {  	[dreg:$0x8] =	wrdreg $0x139500  }
0xb9: {  	[dreg:$0x9] =	wrdreg $0x9  }
0xba: {  	_ =	task.clear_ibuf [dreg:s11], $0xAFFFF;
	_ =	strace $0x90000046  }
0xbb: {  	s29 =	simm.s32 $0x9;
	_ =	strace $0x80000048  }
0xbc: {  	_ =	swait.ge [sflag:s29], $0x1  }
0xbd: {  	[sflag:s29] =	ssyncadd.s32 $0xFFFFFFFF  }
0xbe: {  	_ =	strace $0x90000048  }
0xbf: {  	_ =	sfence  }
0xc0: {  	s30 =	sld [smem:$0x0];
	_ =	sdelay $0x2  }
0xc1: {  	s31 =	sshll.u32 s1, $0xD;
	s1 =	sshrl.u32 s1, $0x2  }
0xc2: {  	s3 =	sand.u32 $0x4000, s31;
	s1 =	sadd.s32 s1, s30  }
0xc3: {  	s0 =	sor.u32 s3, s0;
	s1 =	sshll.u32 s1, $0x11  }
0xc4: {  	s0 =	sor.u32 s1, s0  }
0xc5: {  	s0 =	sadd.s32 $0x8F2B, s0  }
0xc6: {  	[sflag:s0] =	ssyncadd.remote.s32 $0x1  }
0xc7: {  	_ =	sfence.sel $0xFFFF  }
0xc8: {  	[dreg:$0x0] =	wrdreg $0xFFFFFFFF;
	(pc) =	sbr.abs _section_cstart, $3  }
0xc9: {  	[dreg:$0x1] =	wrdreg $0xFFFFFFFF  }
0xca: {  	_ =	task.clear_ibuf [dreg:s11], $0x2FFFF;
	_ =	strace $0x9FFFFFFF  }
0xcb: {  	(tm) =	ssettm $0x7FFFFFFF  }
tec
execute0_lowered:
.L_overlay_start_1:
0x0: {  	(tag) =	ssettag $0x1  }
0x1: {  	s5 =	rddreg [dreg:$0x0]  }
0x2: {  	s9 =	rddreg [dreg:$0x1]  }
0x3: {  	s10 =	rddreg [dreg:$0x2]  }
0x4: {  	s7 =	rddreg [dreg:$0x3]  }
0x5: {  	s8 =	rddreg [dreg:$0x4]  }
0x6: {  	s1 =	rddreg [dreg:$0x5]  }
0x7: {  	s3 =	rddreg [dreg:$0x6]  }
0x8: {  	s0 =	rddreg [dreg:$0x7];
	s4 =	simm.s32 $0x0  }
0x9: {  	s6 =	srdreg.scid;
	s2 =	stileid.u32;
	s16 =	simm.s32 $0x1  }
0xa: {  	s17 =	simm.s32 $0x2;
	s18 =	simm.s32 $0x13940;
	s19 =	simm.s32 $0x3  }
0xb: {  	s20 =	simm.s32 $0x40;
	s21 =	simm.s32 $0x3940;
	s22 =	simm.s32 $0x0  }
0xc: {  	[smem:$0x7FF] =	sst s4;
	s6 =	sand.u32 $0x1, s6;
	s11 =	sshll.u32 s2, $0x1  }
0xd: {  	s12 =	smul.u32 $0x6000, s2;
	s31 =	sshll.u32 s2, $0x6;
	s11 =	sor.u32 s6, s11  }
0xe: {  	s6 =	ssub.s32 $0x2, s6;
	_ =	strace $0x80000047;
	s13 =	sshll.u32 s11, $0x1  }
0xf: {  	s14 =	sshrl.u32 s6, $0x1;
	s15 =	sadd.s32 s12, s3;
	s30 =	sshrl.u32 s12, $0x3  }
.Ltmp0:
0x10: {  	s11 =	sshll.u32 s11, $0x8;
	s13 =	sadd.s32 s13, s5;
	(pc) =	sbr.rel .LBB2_1-.Ltmp0, $4  }
0x11: {  	s14 =	ssub.s32 s6, s14;
	s5 =	sadd.s32 s5, s30;
	s6 =	sor.u32 $0x1C02, s31  }
0x12: {  	s7 =	sadd.s32 s7, s11;
	s8 =	sadd.s32 s8, s11;
	s9 =	sadd.s32 s9, s11  }
0x13: {  	s10 =	sadd.s32 s10, s11;
	s11 =	sadd.s32 $0xC000, s13;
	s12 =	smax.u32 s14, $0x1  }
0x14: {  	v0 =	vlaneseq.u32;
	v1 =	vimm.s32 $0x0;
	s13 =	sshrl.u32 s15, $0x3;
	s14 =	simm.s32 $0x2000;
	s15 =	simm.s32 $0x800  }
.LBB2_19:
0x15: {  	v2 =	vimm.f32 $0.0e+00  }
.LBB2_17:
0x16: {  	s22 =	sadd.s32 $0x1, s22  }
0x17: {  	p0 =	sne.s32 s22, s12  }
.Ltmp1:
0x18: {  	[tilespmem:$0x13940] =	vst v2;
	(pc) =	sbr.rel @!p0 .LBB2_18-.Ltmp1, $4  }
0x19: {  	[hbm4b:s11+s4] =	stream.linear.scatter [tilespmem:s18], [sflag:$0x3], $0x10, $0x38;
	[tilespmem:$0x19950] =	vst v63  }
0x1a: {  	_ =	swait.ge [sflag:s19], $0x10  }
0x1b: {  	[sflag:s19] =	ssyncset.done $0x0  }
0x1c: {  	[sflag:s19] =	ssyncadd.s32 $0xFFFFFFF0  }
.LBB2_1:
0x1d: {  	[spmem:s13], [sflag:s6] =	dma.local [hbm:s5], $0xC00  }
0x1e: {  	s23 =	simm.s32 $0x1000  }
0x1f: {  	[tilespmem:s23], [sflag:$0x1] =	stream.linear.gather [hbm4b:s7+s4], $0x800, $0x38;
	[tilespmem:$0x19950] =	vst v63  }
0x20: {  	s24 =	simm.s32 $0x1800  }
0x21: {  	[tilespmem:s24], [sflag:$0x1] =	stream.linear.gather [hbm4b:s8+s4], $0x800, $0x38;
	[tilespmem:$0x19950] =	vst v63  }
0x22: {  	_ = 	snop  }
0x23: {  	[tilespmem:s14], [sflag:$0x1] =	stream.linear.gather [hbm4b:s1+s4], $0xC8, $0x38;
	[tilespmem:$0x19950] =	vst v63  }
0x24: {  	_ = 	snop  }
0x25: {  	[tilespmem:s4], [sflag:$0x1] =	stream.linear.gather [hbm4b:s9+s4], $0x800, $0x38;
	[tilespmem:$0x19950] =	vst v63  }
0x26: {  	_ = 	snop  }
0x27: {  	[tilespmem:s15], [sflag:$0x1] =	stream.linear.gather [hbm4b:s10+s4], $0x800, $0x38;
	[tilespmem:$0x19950] =	vst v63  }
0x28: {  	_ =	swait.ge [sflag:s16], $0x800  }
0x29: {  	[sflag:s16] =	ssyncset.done $0x0  }
0x2a: {  	[sflag:s16] =	ssyncadd.s32 $0xFFFFF800  }
0x2b: {  	_ =	swait.ge [sflag:s16], $0x800  }
0x2c: {  	[sflag:s16] =	ssyncset.done $0x0  }
0x2d: {  	[sflag:s16] =	ssyncadd.s32 $0xFFFFF800  }
0x2e: {  	_ =	swait.ge [sflag:s16], $0xC8  }
0x2f: {  	[sflag:s16] =	ssyncset.done $0x0  }
0x30: {  	[sflag:s16] =	ssyncadd.s32 $0xFFFFFF38  }
0x31: {  	v2 =	vld [tilespmem:s24+$0x0]  }
0x32: {  	v3 =	vld [tilespmem:s23+$0x0];
	_ =	sdelay $0x6  }
0x33: {  	v2 =	vld.idx.msk [tilespmem:v2+s14+$0x0], $0xffff  }
0x34: {  	v3 =	vld.idx.msk [tilespmem:v3+s14+$0x0], $0xffff;
	_ =	sdelay $0x4  }
0x35: {  	v4 =	vadd.s32 $0xFFFFFFC9, v3;
	v5 =	vadd.s32 $0xFFFFFFC9, v2;
	vm0 =	vlt.u32 v2, $0x1E  }
0x36: {  	vm2 =	vlt.u32 v3, $0x1E;
	vm1 =	vlt.u32 v4, $0x5;
	vm3 =	vlt.u32 v5, $0x5  }
0x37: {  	vm0 =	vmand vm1, vm0;
	vm15 =	vmand vm2, vm3  }
0x38: {  	vm0 =	vmor vm0, vm15  }
0x39: {  	v2 =	vmpcnt.ones.xlane vm0  }
0x3a: {  	v3 =	vor.u32 s4, v0  }
0x3b: {  	[tilespmem:s4+$0x2100] =	vst.msk vm0, v3;
	v3 =	vxor.u32 $0x80000000, v2  }
0x3c: {  	(xrf0) =	vmax.scan.msk.u32 $0xffff, v3  }
0x3d: {  	s25 =	simm.s32 $0x1810  }
0x3e: {  	s26 =	simm.s32 $0x1010;
	v2 =	vld [tilespmem:s25+$0x0]  }
0x3f: {  	s28 =	simm.s32 $0x20;
	s23 =	simm.s32 $0x10;
	s24 =	simm.s32 $0x0;
	v3 =	vld [tilespmem:s26+$0x0]  }
.LBB2_2:
0x40: {  	p0 =	sne.s32 s28, $0x7F0;
	_ =	sdelay $0x1  }
0x41: {  	v4, _, _ =	vpop (xrf0)  }
0x42: {  	(v2sf) =	vpush v4, $0xF;
	_ =	sdelay $0x2  }
0x43: {  	v2 =	vld.idx.msk [tilespmem:v2+s14+$0x0], $0xffff  }
0x44: {  	v3 =	vld.idx.msk [tilespmem:v3+s14+$0x0], $0xffff;
	_ =	sdelay $0x5  }
0x45: {  	v5 =	vadd.s32 $0xFFFFFFC9, v2;
	vm0 =	vlt.u32 v2, $0x1E;
	v4 =	vadd.s32 $0xFFFFFFC9, v3  }
0x46: {  	vm2 =	vlt.u32 v3, $0x1E;
	vm3 =	vlt.u32 v5, $0x5;
	vm1 =	vlt.u32 v4, $0x5  }
0x47: {  	vm0 =	vmand vm1, vm0;
	vm1 =	vmand vm2, vm3  }
0x48: {  	vm0 =	vmor vm0, vm1  }
0x49: {  	v2 =	vmpcnt.ones.xlane vm0  }
0x4a: {  	s29 =	spop (v2sf)  }
.Ltmp2:
0x4b: {  	v2 =	vxor.u32 $0x80000000, v2;
	s24 =	sadd.s32 s29, s24;
	(pc) =	sbr.rel @p0 .LBB2_2-.Ltmp2, $4  }
0x4c: {  	v3 =	vor.u32 s23, v0;
	s23 =	smov.u32 s28;
	(xrf0) =	vmax.scan.msk.u32 $0xffff, v2;
	s24 =	sadd.s32 $0x80000000, s24  }
0x4d: {  	s25 =	sadd.s32 $0x10, s25;
	[tilespmem:s24+$0x2100] =	vst.msk vm0, v3  }
0x4e: {  	s26 =	sadd.s32 $0x10, s26;
	v2 =	vld [tilespmem:s25+$0x0]  }
0x4f: {  	s28 =	sadd.s32 $0x10, s28;
	v3 =	vld [tilespmem:s26+$0x0]  }
0x50: {  	_ =	sdelay $0x6  }
0x51: {  	v2 =	vld.idx.msk [tilespmem:v2+s14+$0x0], $0xffff  }
0x52: {  	v3 =	vld.idx.msk [tilespmem:v3+s14+$0x0], $0xffff;
	_ =	sdelay $0x4  }
0x53: {  	v5 =	vadd.s32 $0xFFFFFFC9, v2;
	vm0 =	vlt.u32 v2, $0x1E;
	v4 =	vadd.s32 $0xFFFFFFC9, v3  }
0x54: {  	vm2 =	vlt.u32 v3, $0x1E;
	vm3 =	vlt.u32 v5, $0x5;
	vm1 =	vlt.u32 v4, $0x5  }
0x55: {  	vm15 =	vmand vm2, vm3;
	vm0 =	vmand vm1, vm0  }
0x56: {  	vm0 =	vmor vm0, vm15  }
0x57: {  	v2 =	vmpcnt.ones.xlane vm0;
	_ =	sdelay $0x1  }
0x58: {  	v2 =	vxor.u32 $0x80000000, v2  }
0x59: {  	(xrf0) =	vmax.scan.msk.u32 $0xffff, v2;
	_ =	sdelay $0x3  }
0x5a: {  	v2, _, _ =	vpop (xrf0)  }
0x5b: {  	(v2sf) =	vpush v2, $0xF  }
0x5c: {  	v2, _, _ =	vpop (xrf0)  }
0x5d: {  	(v2sf) =	vpush v2, $0xF;
	_ =	sdelay $0xc  }
0x5e: {  	s25 =	spop (v2sf)  }
0x5f: {  	s24 =	sadd.s32 s25, s24  }
0x60: {  	s24 =	sadd.s32 $0x80000000, s24;
	s30 =	spop (v2sf)  }
0x61: {  	v2 =	vor.u32 s23, v0;
	s31 =	sadd.s32 s30, s24  }
0x62: {  	[tilespmem:s24+$0x2100] =	vst.msk vm0, v2;
	s24 =	sadd.s32 $0x80000000, s31  }
0x63: {  	[tilespmem:s24+$0x2100] =	vst v1  }
0x64: {  	[tilespmem:s24+$0x2110] =	vst v1  }
0x65: {  	[tilespmem:s24+$0x2120] =	vst v1  }
0x66: {  	[tilespmem:s24+$0x2130] =	vst v1  }
0x67: {  	_ =	swait.ge [sflag:s16], $0x800  }
0x68: {  	[sflag:s16] =	ssyncset.done $0x0  }
0x69: {  	[sflag:s16] =	ssyncadd.s32 $0xFFFFF800  }
0x6a: {  	s23 =	sadd.s32 $0x3F, s24;
	_ =	swait.ge [sflag:s16], $0x800  }
0x6b: {  	s23 =	sshrl.u32 s23, $0x6;
	[sflag:s16] =	ssyncset.done $0x0  }
0x6c: {  	p0 =	seq.s32 s23, $0x0;
	[sflag:s16] =	ssyncadd.s32 $0xFFFFF800  }
.Ltmp3:
0x6d: {  	_ =	swait.ge [sflag:s17], $0xC00;
	(pc) =	sbr.rel @p0 .LBB2_19-.Ltmp3, $3  }
0x6e: {  	[sflag:s17] =	ssyncset.done $0x0  }
0x6f: {  	[sflag:s17] =	ssyncadd.s32 $0xFFFFF400  }
0x70: {  	[bflag:$0x0] =	sbarrier.arrive $0xFFFF;
	_ =	sdelay $0x1  }
0x71: {  	s25 =	simm.s32 $0xB940;
	s26 =	simm.s32 $0x3140  }
0x72: {  	s28 =	simm.s32 $0x2940;
	s29 =	simm.s32 $0x2120;
	s30 =	smov.u32 s23  }
.LBB2_5:
0x73: {  	v2 =	vld [tilespmem:s29+$0xFFFFFFE0];
	_ =	sdelay $0x7  }
0x74: {  	v2 =	vld.idx.msk [tilespmem:v2+s4+$0x0], $0xffff;
	_ =	sdelay $0x4  }
0x75: {  	v2 =	vshra.s32 v2, $0x4  }
0x76: {  	vm0 =	vgt.s32 v2, $0x0  }
0x77: {  	v2 =	vnsel vm0, $0x0, v2  }
0x78: {  	v3 =	vmin.u32 v2, $0x5FFF;
	v2 =	vmin.u32 v2, $0x5FFE  }
0x79: {  	[tilespmem:s28+$0x0] =	vst v3;
	v2 =	vadd.s32 $0x1, v2  }
0x7a: {  	[tilespmem:s26+$0x0] =	vst v2  }
0x7b: {  	v2 =	vld [tilespmem:s29+$0xFFFFFFF0];
	_ =	sdelay $0x7  }
0x7c: {  	v2 =	vld.idx.msk [tilespmem:v2+s4+$0x0], $0xffff;
	_ =	sdelay $0x4  }
0x7d: {  	v2 =	vshra.s32 v2, $0x4  }
0x7e: {  	vm13 =	vgt.s32 v2, $0x0  }
0x7f: {  	v2 =	vnsel vm13, $0x0, v2  }
0x80: {  	v3 =	vmin.u32 v2, $0x5FFF;
	v2 =	vmin.u32 v2, $0x5FFE  }
0x81: {  	[tilespmem:s28+$0x10] =	vst v3;
	v2 =	vadd.s32 $0x1, v2  }
0x82: {  	[tilespmem:s26+$0x10] =	vst v2  }
0x83: {  	v2 =	vld [tilespmem:s29+$0x0];
	_ =	sdelay $0x7  }
0x84: {  	v2 =	vld.idx.msk [tilespmem:v2+s4+$0x0], $0xffff;
	_ =	sdelay $0x4  }
0x85: {  	v2 =	vshra.s32 v2, $0x4  }
0x86: {  	vm14 =	vgt.s32 v2, $0x0  }
0x87: {  	v2 =	vnsel vm14, $0x0, v2  }
0x88: {  	v3 =	vmin.u32 v2, $0x5FFF;
	v2 =	vmin.u32 v2, $0x5FFE  }
0x89: {  	[tilespmem:s28+$0x20] =	vst v3;
	v2 =	vadd.s32 $0x1, v2  }
0x8a: {  	[tilespmem:s26+$0x20] =	vst v2  }
0x8b: {  	v2 =	vld [tilespmem:s29+$0x10];
	_ =	sdelay $0x7  }
0x8c: {  	v2 =	vld.idx.msk [tilespmem:v2+s4+$0x0], $0xffff;
	_ =	sdelay $0x4  }
0x8d: {  	v2 =	vshra.s32 v2, $0x4  }
0x8e: {  	vm15 =	vgt.s32 v2, $0x0  }
0x8f: {  	v2 =	vnsel vm15, $0x0, v2  }
0x90: {  	v3 =	vmin.u32 v2, $0x5FFF;
	v2 =	vmin.u32 v2, $0x5FFE  }
0x91: {  	p0 =	sne.s32 s30, $0x1;
	[tilespmem:s28+$0x30] =	vst v3;
	v2 =	vadd.s32 $0x1, v2  }
.Ltmp4:
0x92: {  	s31 =	sadd.s32 $0xFFFF8000, s25;
	[tilespmem:s26+$0x30] =	vst v2;
	(pc) =	sbr.rel @p0 .LBB2_5-.Ltmp4, $4  }
0x93: {  	[tilespmem:s31], [sflag:$0x1] =	stream.indirect.gather [spmem:s3], $0x10, s28, s20, $0xb8;
	[tilespmem:$0x19950] =	vst v63  }
0x94: {  	s30 =	sadd.s32 $0xFFFFFFFF, s30;
	s29 =	sadd.s32 $0x40, s29  }
0x95: {  	[tilespmem:s25], [sflag:$0x1] =	stream.indirect.gather [spmem:s3], $0x10, s26, s20, $0xb8;
	[tilespmem:$0x19950] =	vst v63  }
0x96: {  	s28 =	sadd.s32 $0x40, s28;
	s25 =	sadd.s32 $0x400, s25;
	s26 =	sadd.s32 $0x40, s26  }
0x97: {  	s25 =	sshll.u32 s23, $0x1  }
0x98: {  	p0 =	sne.s32 s25, $0x1  }
.Ltmp5:
0x99: {  	_ = 	snop;
	(pc) =	sbr.rel @!p0 .LBB2_8-.Ltmp5, $3  }
0x9a: {  	_ =	sdelay $0x1  }
0x9b: {  	_ =	swait.ge [sflag:s16], $0x400  }
0x9c: {  	s25 =	sadd.s32 $0xFFFFFFFF, s25;
	[sflag:s16] =	ssyncset.done $0x0  }
.LBB2_7:
0x9d: {  	p0 =	sne.s32 s25, $0x1;
	s25 =	sadd.s32 $0xFFFFFFFF, s25;
	[sflag:s16] =	ssyncadd.s32 $0xFFFFFC00  }
.Ltmp6:
0x9e: {  	(pc) =	sbr.rel @p0 .LBB2_7-.Ltmp6, $3  }
0x9f: {  	_ =	sdelay $0x1  }
0xa0: {  	_ =	swait.ge [sflag:s16], $0x400  }
0xa1: {  	[sflag:s16] =	ssyncset.done $0x0  }
.LBB2_8:
0xa2: {  	s25 =	sshll.u32 s23, $0x2  }
0xa3: {  	p2 =	sne.s32 s25, $0x1  }
.Ltmp7:
0xa4: {  	_ = 	snop;
	(pc) =	sbr.rel @!p2 .LBB2_9-.Ltmp7, $3  }
0xa5: {  	_ =	sdelay $0x1  }
0xa6: {  	[sflag:s16] =	ssyncadd.s32 $0xFFFFFC00;
	s26 =	simm.s32 $0x2100;
	s23 =	simm.s32 $0x0  }
0xa7: {  	v3 =	vmov s24;
	v2 =	vimm.f32 $0.0e+00;
	p0 =	por $0x0, $0x0;
	p1 =	por $0x0, $0x0;
	v17 =	vld [tilespmem:s26+$0x0];
	s24 =	sadd.s32 $0xFFFFFFFF, s25  }
0xa8: {  	_ =	sdelay $0x7  }
0xa9: {  	v10 =	vld.idx.msk [tilespmem:v17+s4+$0x0], $0xffff;
	_ =	sdelay $0x3  }
0xaa: {  	v8 =	vor.u32 s23, v0  }
0xab: {  	s25 =	simm.s32 $0x2110;
	v4 =	vshll.u32 v8, $0x4;
	v14 =	vand.u32 $0xF, v10  }
0xac: {  	p2 =	sne.s32 s24, $0x1;
	v5 =	vadd.s32 $0x4, v10;
	v13 =	vor.u32 v4, v14;
	v4 =	vld [tilespmem:s25+$0x0]  }
.Ltmp8:
0xad: {  	v7 =	vadd.s32 $0x5, v10;
	v6 =	vadd.s32 $0x2, v10;
	v11 =	vadd.s32 $0x3, v10;
	(pc) =	sbr.rel @!p2 .LBB2_11-.Ltmp8, $4  }
0xae: {  	v12 =	vadd.s32 $0x1, v10;
	v9 =	vand.u32 $0xF, v5;
	vm0 =	veq.s32 v14, $0xF  }
0xaf: {  	vm3 =	vgt.u32 v14, $0xA;
	v18 =	vand.u32 $0xF, v6;
	v5 =	vsel vm0, $0x800, v1  }
0xb0: {  	v15 =	vand.u32 $0xF, v11;
	vm0 =	vgt.u32 v14, $0xD;
	v5 =	vadd.s32 v8, v5  }
0xb1: {  	s26 =	sadd.s32 $0xFFFFFFFF, s24;
	p0 =	por $0x1, $0x1;
	v20 =	vand.u32 $0xF, v12;
	v22 =	vsel vm0, $0x800, v1;
	v21 =	vshll.u32 v5, $0x4  }
0xb2: {  	_ =	sdelay $0x1  }
0xb3: {  	v6 =	vor.u32 v20, v21;
	v5 =	vadd.s32 v8, v22;
	vm0 =	vgt.u32 v14, $0xC  }
0xb4: {  	v5 =	vshll.u32 v5, $0x4;
	v11 =	vsel vm0, $0x800, v1  }
0xb5: {  	v12 =	vld.idx.msk [tilespmem:v17+s15+$0x0], $0xffff;
	vm0 =	vgt.u32 v14, $0xB;
	v14 =	vor.u32 v18, v5;
	v5 =	vadd.s32 v8, v11  }
0xb6: {  	v16 =	vsel vm0, $0x800, v1;
	v11 =	vld.idx.msk [tilespmem:v4+s4+$0x0], $0xffff;
	v17 =	vshll.u32 v5, $0x4  }
0xb7: {  	v7 =	vand.u32 $0xF, v7;
	v16 =	vadd.s32 v8, v16;
	v5 =	vld.idx.msk [tilespmem:v13+s21+$0x0], $0xffff;
	v13 =	vor.u32 v15, v17  }
0xb8: {  	vm2 =	vlt.s32 v8, v3;
	v15 =	vshll.u32 v16, $0x4;
	v16 =	vsel vm3, $0x800, v1;
	v6 =	vld.idx.msk [tilespmem:v6+s21+$0x0], $0xffff  }
0xb9: {  	s24 =	simm.s32 $0x10;
	vm3 =	vgt.s32 v10, $0xFFFFFFFF;
	v9 =	vor.u32 v9, v15;
	v15 =	vadd.s32 v8, v16  }
0xba: {  	v16 =	vor.u32 s24, v0;
	vm0 =	vlt.s32 v12, $0x1;
	v15 =	vshll.u32 v15, $0x4;
	v17 =	vld.idx.msk [tilespmem:v14+s21+$0x0], $0xffff  }
0xbb: {  	vm1 =	veq.s32 v12, $0x1;
	vm2 =	vmand vm2, vm3;
	v19 =	vor.u32 v7, v15  }
0xbc: {  	v8 =	vshll.u32 v16, $0x4;
	v10 =	vadd.s32 $0x4, v11;
	v7 =	vadd.s32 $0x5, v11;
	v20 =	vld.idx.msk [tilespmem:v13+s21+$0x0], $0xffff  }
0xbd: {  	v12 =	vadd.s32 $0x2, v11;
	v14 =	vand.u32 $0xF, v11;
	v6 =	vadd.f32 v6, v5  }
0xbe: {  	p2 =	sne.s32 s26, $0x1;
	v21 =	vadd.s32 $0x1, v11;
	vm3 =	vgt.u32 v14, $0xA;
	vm4 =	veq.s32 v14, $0xF;
	v23 =	vld.idx.msk [tilespmem:v9+s21+$0x0], $0xffff  }
.Ltmp9:
0xbf: {  	v18 =	vand.u32 $0xF, v12;
	v13 =	vadd.s32 $0x3, v11;
	v6 =	vadd.f32 v17, v6;
	(pc) =	sbr.rel @!p2 .LBB2_13-.Ltmp9, $4  }
0xc0: {  	s25 =	simm.s32 $0x2120;
	v9 =	vand.u32 $0xF, v10;
	v15 =	vand.u32 $0xF, v13;
	v10 =	vsel vm4, $0x800, v1;
	v19 =	vld.idx.msk [tilespmem:v19+s21+$0x0], $0xffff  }
0xc1: {  	vm4 =	vgt.u32 v14, $0xD;
	v12 =	vadd.f32 v20, v6;
	v6 =	vadd.s32 v16, v10;
	v10 =	vld [tilespmem:s25+$0x0]  }
0xc2: {  	v13 =	vor.u32 v8, v14;
	v22 =	vsel vm4, $0x800, v1;
	v20 =	vand.u32 $0xF, v21  }
0xc3: {  	s26 =	sadd.s32 $0xFFFFFFFF, s26;
	p1 =	por $0x1, $0x1;
	v21 =	vshll.u32 v6, $0x4;
	v6 =	vimm.f32 $0.0e+00;
	v23 =	vadd.f32 v23, v12  }
.LBB2_14:
0xc4: {  	p2 =	sne.s32 s26, $0x1;
	v8 =	vor.u32 v20, v21;
	v17 =	vadd.s32 v16, v22;
	vm4 =	vgt.u32 v14, $0xC  }
0xc5: {  	v17 =	vshll.u32 v17, $0x4;
	v20 =	vsel vm4, $0x800, v1;
	v19 =	vadd.f32 v19, v23  }
0xc6: {  	vm4 =	vgt.u32 v14, $0xB;
	v21 =	vld.idx.msk [tilespmem:v4+s15+$0x0], $0xffff;
	v17 =	vor.u32 v18, v17;
	v18 =	vadd.s32 v16, v20;
	v4 =	vmovc v10  }
0xc7: {  	v10 =	vld.idx.msk [tilespmem:v10+s4+$0x0], $0xffff;
	v14 =	vshll.u32 v18, $0x4;
	v18 =	vsel vm4, $0x800, v1;
	v12 =	vsel vm1, v12, v19  }
0xc8: {  	v14 =	vor.u32 v15, v14;
	v15 =	vadd.s32 v16, v18;
	v12 =	vsel vm0, v5, v12;
	v5 =	vld.idx.msk [tilespmem:v13+s21+$0x0], $0xffff  }
0xc9: {  	v8 =	vld.idx.msk [tilespmem:v8+s21+$0x0], $0xffff;
	v13 =	vshll.u32 v15, $0x4;
	v15 =	vsel vm3, $0x800, v1;
	v12 =	vand.u32 $0x7FFFFFFF, v12  }
0xca: {  	v9 =	vor.u32 v9, v13;
	v13 =	vadd.s32 v16, v15;
	v12 =	vnsel vm2, $0x0, v12  }
0xcb: {  	v7 =	vand.u32 $0xF, v7;
	s24 =	sadd.s32 $0x10, s24;
	v15 =	vld.idx.msk [tilespmem:v17+s21+$0x0], $0xffff;
	v13 =	vshll.u32 v13, $0x4;
	v6 =	vadd.f32 v12, v6  }
0xcc: {  	vm2 =	vlt.s32 v16, v3;
	v16 =	vor.u32 s24, v0;
	v12 =	vor.u32 v7, v13  }
0xcd: {  	vm3 =	vgt.s32 v11, $0xFFFFFFFF;
	vm0 =	vlt.s32 v21, $0x1;
	v13 =	vshll.u32 v16, $0x4;
	v11 =	vmovc v10;
	v17 =	vld.idx.msk [tilespmem:v14+s21+$0x0], $0xffff  }
0xce: {  	vm1 =	veq.s32 v21, $0x1;
	v18 =	vadd.s32 $0x4, v11;
	v7 =	vadd.s32 $0x5, v11  }
0xcf: {  	s25 =	sadd.s32 $0x10, s25;
	v20 =	vadd.s32 $0x2, v11;
	v21 =	vadd.s32 $0x3, v11;
	v8 =	vadd.f32 v8, v5;
	v23 =	vld.idx.msk [tilespmem:v9+s21+$0x0], $0xffff  }
0xd0: {  	vm2 =	vmand vm2, vm3;
	v14 =	vand.u32 $0xF, v11;
	v22 =	vadd.s32 $0x1, v11;
	v10 =	vld [tilespmem:s25+$0x0]  }
.Ltmp10:
0xd1: {  	vm3 =	vgt.u32 v14, $0xA;
	v9 =	vand.u32 $0xF, v18;
	v8 =	vadd.f32 v15, v8;
	v19 =	vld.idx.msk [tilespmem:v12+s21+$0x0], $0xffff;
	(pc) =	sbr.rel @p2 .LBB2_14-.Ltmp10, $4  }
0xd2: {  	vm4 =	veq.s32 v14, $0xF;
	v18 =	vand.u32 $0xF, v20;
	v15 =	vand.u32 $0xF, v21  }
0xd3: {  	v13 =	vor.u32 v13, v14;
	v20 =	vsel vm4, $0x800, v1;
	v12 =	vadd.f32 v17, v8  }
0xd4: {  	vm4 =	vgt.u32 v14, $0xD;
	v8 =	vadd.s32 v16, v20;
	v20 =	vand.u32 $0xF, v22  }
0xd5: {  	s26 =	sadd.s32 $0xFFFFFFFF, s26;
	v22 =	vsel vm4, $0x800, v1;
	v21 =	vshll.u32 v8, $0x4;
	v23 =	vadd.f32 v23, v12  }
0xd6: {  	v17 =	vmovc v4;
	v8 =	vmov v16;
	v4 =	vmov v10;
	v10 =	vmov v11  }
.LBB2_16:
0xd7: {  	_ =	sdelay $0x1  }
0xd8: {  	v11 =	vor.u32 @p0 v20, v21;
	v16 =	vadd.s32 @p0 v8, v22;
	vm4 =	vgt.u32 @p0 v14, $0xC  }
0xd9: {  	v19 =	vadd.f32 @p1 v19, v23;
	v21 =	vsel @p0 vm3, $0x800, v1;
	v7 =	vand.u32 @p0 $0xF, v7  }
0xda: {  	v39 =	vld.idx.msk [tilespmem:v4+s4+$0x0], $0xffff;
	s24 =	sadd.s32 @p0 $0x10, s24;
	v16 =	vshll.u32 @p0 v16, $0x4;
	v20 =	vsel @p0 vm4, $0x800, v1;
	vm4 =	vgt.u32 @p0 v14, $0xB  }
0xdb: {  	v21 =	vadd.s32 @p0 v8, v21;
	s23 =	smov.u32 @p0 s24;
	v16 =	vor.u32 @p0 v18, v16;
	v18 =	vsel @p0 vm4, $0x800, v1  }
0xdc: {  	v20 =	vadd.s32 @p0 v8, v20;
	v40 =	vor.u32 s23, v0;
	v18 =	vadd.s32 @p0 v8, v18  }
0xdd: {  	v20 =	vshll.u32 @p0 v20, $0x4;
	v42 =	vshll.u32 v40, $0x4;
	v18 =	vshll.u32 @p0 v18, $0x4  }
0xde: {  	v15 =	vor.u32 @p0 v15, v20;
	v9 =	vor.u32 @p0 v9, v18;
	v18 =	vshll.u32 @p0 v21, $0x4  }
0xdf: {  	v41 =	vand.u32 $0xF, v39;
	v43 =	vadd.s32 $0x2, v39;
	v44 =	vadd.s32 $0x3, v39  }
0xe0: {  	v25 =	vadd.s32 $0x1, v39;
	v48 =	vadd.s32 $0x4, v39;
	vm7 =	veq.s32 v41, $0xF  }
0xe1: {  	v52 =	vadd.s32 $0x5, v39;
	v7 =	vor.u32 @p0 v7, v18;
	v24 =	vsel vm7, $0x800, v1  }
0xe2: {  	v18 =	vor.u32 v42, v41;
	vm8 =	vgt.u32 v41, $0xD;
	v24 =	vadd.s32 v40, v24  }
0xe3: {  	v13 =	vld.idx.msk @p0 [tilespmem:v13+s21+$0x0], $0xffff;
	v25 =	vand.u32 $0xF, v25;
	v26 =	vsel vm8, $0x800, v1;
	v24 =	vshll.u32 v24, $0x4  }
0xe4: {  	v17 =	vld.idx.msk @p0 [tilespmem:v17+s15+$0x0], $0xffff;
	vm9 =	vgt.u32 v41, $0xC;
	v45 =	vadd.s32 v40, v26;
	v24 =	vor.u32 v25, v24  }
0xe5: {  	v11 =	vld.idx.msk @p0 [tilespmem:v11+s21+$0x0], $0xffff;
	v22 =	vand.u32 $0xF, v43;
	v46 =	vsel vm9, $0x800, v1;
	v25 =	vshll.u32 v45, $0x4  }
0xe6: {  	vm10 =	vgt.u32 v41, $0xB;
	v16 =	vld.idx.msk @p0 [tilespmem:v16+s21+$0x0], $0xffff;
	v26 =	vadd.s32 v40, v46;
	v22 =	vor.u32 v22, v25  }
0xe7: {  	v23 =	vand.u32 $0xF, v44;
	v49 =	vsel vm10, $0x800, v1;
	v47 =	vshll.u32 v26, $0x4;
	v15 =	vld.idx.msk @p0 [tilespmem:v15+s21+$0x0], $0xffff  }
0xe8: {  	vm11 =	vgt.u32 v41, $0xA;
	v50 =	vadd.s32 v40, v49;
	v23 =	vor.u32 v23, v47;
	v18 =	vld.idx.msk [tilespmem:v18+s21+$0x0], $0xffff  }
0xe9: {  	v51 =	vsel vm11, $0x800, v1;
	v21 =	vshll.u32 v50, $0x4;
	v25 =	vand.u32 $0xF, v48;
	v24 =	vld.idx.msk [tilespmem:v24+s21+$0x0], $0xffff  }
0xea: {  	v26 =	vadd.s32 v40, v51;
	v11 =	vadd.f32 @p0 v11, v13;
	v9 =	vld.idx.msk @p0 [tilespmem:v9+s21+$0x0], $0xffff;
	v21 =	vor.u32 v25, v21  }
0xeb: {  	v54 =	vshll.u32 v26, $0x4;
	v25 =	vand.u32 $0xF, v52;
	v53 =	vld.idx.msk [tilespmem:v22+s21+$0x0], $0xffff  }
0xec: {  	v7 =	vld.idx.msk @p0 [tilespmem:v7+s21+$0x0], $0xffff;
	v11 =	vadd.f32 @p0 v16, v11;
	v55 =	vor.u32 v25, v54  }
0xed: {  	v12 =	vsel @p1 vm1, v12, v19;
	v56 =	vld.idx.msk [tilespmem:v23+s21+$0x0], $0xffff  }
0xee: {  	v60 =	vld.idx.msk [tilespmem:v4+s15+$0x0], $0xffff;
	v5 =	vsel @p1 vm0, v5, v12;
	v11 =	vadd.f32 @p0 v15, v11;
	v57 =	vadd.f32 v24, v18  }
0xef: {  	vm0 =	vlt.s32 @p0 v8, v3;
	vm14 =	vlt.s32 v40, v3;
	v5 =	vand.u32 @p1 $0x7FFFFFFF, v5;
	v21 =	vld.idx.msk [tilespmem:v21+s21+$0x0], $0xffff  }
0xf0: {  	v5 =	vnsel @p1 vm2, $0x0, v5;
	v9 =	vadd.f32 @p0 v9, v11;
	v58 =	vadd.f32 v53, v57  }
0xf1: {  	vm1 =	vlt.s32 @p0 v17, $0x1;
	vm2 =	vgt.s32 @p0 v10, $0xFFFFFFFF;
	vm3 =	veq.s32 @p0 v17, $0x1;
	v59 =	vld.idx.msk [tilespmem:v55+s21+$0x0], $0xffff  }
0xf2: {  	v7 =	vpsel p0, v7, v0;
	v9 =	vpsel p0, v9, v0;
	v8 =	vadd.f32 v56, v58  }
0xf3: {  	vm12 =	veq.s32 v60, $0x1;
	vm3 =	vmmov @p0 vm3;
	v7 =	vadd.f32 @p0 v7, v9  }
0xf4: {  	vm1 =	vmmov @p0 vm1;
	v9 =	vpsel p0, v11, v0;
	v61 =	vadd.f32 v21, v8  }
0xf5: {  	v5 =	vadd.f32 @p1 v5, v6;
	v11 =	vpsel p0, v13, v0;
	v7 =	vsel @p0 vm3, v9, v7  }
0xf6: {  	vm0 =	vmand @p0 vm0, vm2;
	v6 =	vsel @p0 vm1, v11, v7;
	v62 =	vadd.f32 v59, v61  }
0xf7: {  	vm13 =	vlt.s32 v60, $0x1;
	vm0 =	vmmov @p0 vm0;
	v6 =	vand.u32 @p0 $0x7FFFFFFF, v6  }
.Ltmp11:
0xf8: {  	v5 =	vpsel p1, v5, v2;
	v6 =	vnsel @p0 vm0, $0x0, v6;
	v63 =	vsel vm12, v8, v62;
	(pc) =	sbr.rel .LBB2_17-.Ltmp11, $4  }
0xf9: {  	vm15 =	vgt.s32 v39, $0xFFFFFFFF;
	v5 =	vadd.f32 @p0 v6, v5;
	v3 =	vsel vm13, v18, v63  }
0xfa: {  	vm0 =	vmand vm14, vm15;
	v3 =	vand.u32 $0x7FFFFFFF, v3  }
0xfb: {  	v2 =	vpsel p0, v5, v2;
	v3 =	vnsel vm0, $0x0, v3  }
0xfc: {  	v2 =	vadd.f32 v3, v2  }
.LBB2_9:
.Ltmp12:
0xfd: {  	_ = 	snop;
	(pc) =	sbr.rel .LBB2_16-.Ltmp12, $2  }
0xfe: {  	_ =	sdelay $0x2  }
0xff: {  	s24 =	simm.s32 $0x0;
	v6 =	vimm.f32 $0.0e+00;
	v4 =	vmov v17  }
.LBB2_11:
.Ltmp13:
0x100: {  	(pc) =	sbr.rel .LBB2_16-.Ltmp13, $2  }
0x101: {  	_ =	sdelay $0x2  }
0x102: {  	s24 =	simm.s32 $0x0;
	v6 =	vimm.f32 $0.0e+00  }
.LBB2_13:
.Ltmp14:
0x103: {  	(pc) =	sbr.rel .LBB2_16-.Ltmp14, $2  }
0x104: {  	_ =	sdelay $0x2  }
0x105: {  	v17 =	vmovc v4;
	v8 =	vmovc v16;
	v6 =	vimm.f32 $0.0e+00;
	v4 =	vmov v10;
	v10 =	vmov v11  }
.LBB2_18:
0x106: {  	_ =	sfence.sel $0x180000  }
0x107: {  	[bflag:$0x0] =	sbarrier.arrive $0xFFFF  }
0x108: {  	p0 =	sne.s32 s2, $0x0;
	_ =	strace $0x90000047  }
0x109: {  	s0 =	sadd.s32 @!p0 $0x100000, s0;
	[bflag:$0x2] =	sbarrier.arrive $0xFFFF  }
0x10a: {  	[sflag:s0] =	ssyncadd.tile.s32 @!p0 $0x1;
	_ =	shalt  }
.Lfunc_end2:
_tile_overlayer_lowered:
.L_overlay_start_2:
0x10b: {  	(tag) =	ssettag $0x2  }
0x10c: {  	s0 =	rddreg [dreg:$0x0];
	s2 =	stileid.u32  }
0x10d: {  	s1 =	rddreg [dreg:$0x1];
	p0 =	sne.s32 s2, $0x0  }
0x10e: {  	s3 =	rddreg [dreg:$0x2];
	[bflag:$0x3] =	sbarrier.arrive $0xFFFF;
	s2 =	simm.s32 @!p0 $0x1C03  }
0x10f: {  	[timem:s3], [sflag:s2] =	dma.local @!p0 [hbm:s0], s1  }
0x110: {  	s0 =	simm.s32 @!p0 $0x3  }
0x111: {  	_ =	swait.ge @!p0 [sflag:s0], s1  }
0x112: {  	s1 =	ssub.s32 @!p0 $0x0, s1;
	[sflag:s0] =	ssyncset.done @!p0 $0x0  }
0x113: {  	[sflag:s0] =	ssyncadd.s32 @!p0 s1  }
0x114: {  	[bflag:$0x3] =	sbarrier.arrive $0xFFFF  }
0x115: {  	_ =	shalt  }

</sc_bundles>
